<compile_context>
chip_gen: v7x
topology: tpu7x:2x2x1
jax: 0.10.2.dev20260603
libtpu: 0.0.44.dev20260713+nightly
codegen_flags: <defaults>
</compile_context>

<pallas_src>
import functools

import jax
import jax.numpy as jnp
from jax import lax
from jax.experimental import pallas as pl
from jax.experimental.pallas import tpu as pltpu
from jax.experimental.pallas import tpu_sc as plsc

E = 64
K = 2
H = 768
FF = 128
T = 2048
P = T * K
R = 128
NB = P // R + E
NPAD = NB * R

NC, NS, L = 2, 16, 16
NW = NC * NS

F32 = jnp.float32
BF16 = jnp.bfloat16
I32 = jnp.int32

@functools.cache
def _sc_mesh():
    return plsc.VectorSubcoreMesh(core_axis_name="c", subcore_axis_name="s")


_TB = 512


def _router_body(x_ref, gw_ref, wi_ref, ww_ref):
    x = x_ref[...]
    gw = gw_ref[...]
    logits = lax.dot_general(
        x, gw, (((1,), (1,)), ((), ())),
        preferred_element_type=F32)
    col = lax.broadcasted_iota(I32, (_TB, E), 1)
    m1 = jnp.max(logits, axis=1, keepdims=True)
    i1 = jnp.min(jnp.where(logits == m1, col, E), axis=1, keepdims=True)
    masked = jnp.where(col == i1, -jnp.inf, logits)
    m2 = jnp.max(masked, axis=1, keepdims=True)
    i2 = jnp.min(jnp.where(masked == m2, col, E), axis=1, keepdims=True)
    w1 = jax.nn.sigmoid(m1 - m2)
    wi_ref[...] = jnp.concatenate([i1, i2], axis=1)
    ww_ref[...] = jnp.concatenate([w1, 1.0 - w1], axis=1)


def _router(x, gate_weight):
    return pl.pallas_call(
        _router_body,
        grid=(T // _TB,),
        in_specs=[pl.BlockSpec((_TB, H), lambda b: (b, 0)),
                  pl.BlockSpec((E, H), lambda b: (0, 0))],
        out_specs=[pl.BlockSpec((_TB, K), lambda b: (b, 0)),
                   pl.BlockSpec((_TB, K), lambda b: (b, 0))],
        out_shape=[jax.ShapeDtypeStruct((T, K), I32),
                   jax.ShapeDtypeStruct((T, K), F32)],
    )(x, gate_weight)



_PG = 128
_NG = P // _PG


def _dispatch(topi):
    ef = topi.reshape(-1).astype(I32)
    eids = jnp.arange(E, dtype=I32)
    onehot = (ef[:, None] == eids[None, :]).astype(F32)
    counts = jnp.sum(onehot, axis=0)
    padded = jnp.ceil(counts / R) * R
    pad_end = jnp.cumsum(padded)
    pad_start = pad_end - padded
    mg = onehot.reshape(_NG, _PG, E)
    i_ = lax.broadcasted_iota(F32, (_PG, _PG), 0)
    j_ = lax.broadcasted_iota(F32, (_PG, _PG), 1)
    ltri = (j_ < i_).astype(F32)
    cin = jnp.einsum('ij,gje->gie', ltri, mg)
    gsum = jnp.sum(mg, axis=1)
    gpre = jnp.cumsum(gsum, axis=0) - gsum
    rank = jnp.sum((cin + gpre[:, None, :]) * mg, axis=2).reshape(P)
    base = jnp.sum(onehot * pad_start[None, :], axis=1)
    dest = (base + rank).astype(I32)
    bstarts = (jnp.arange(NB, dtype=F32) * R)
    block_expert = jnp.minimum(
        jnp.sum((pad_end[None, :] <= bstarts[:, None]).astype(I32), axis=1),
        E - 1).astype(I32)
    block_meta = jnp.where(bstarts < pad_end[E - 1], block_expert, -1)
    pos = dest.reshape(T, K)
    return block_meta.astype(I32), pos[:, 0], pos[:, 1]



_TPW = T // NW


@functools.cache
def _scatter_rows_kernel():
    @functools.partial(
        pl.kernel, mesh=_sc_mesh(),
        out_type=(jax.ShapeDtypeStruct((NPAD, H), F32),
                  jax.ShapeDtypeStruct((NPAD, 128), F32)),
        scratch_types=[pltpu.VMEM((_TPW,), I32),
                       pltpu.VMEM((_TPW,), I32),
                       pltpu.VMEM((_TPW, H), F32),
                       pltpu.VMEM((_TPW, 128), F32),
                       pltpu.VMEM((_TPW, 128), F32),
                       pltpu.SemaphoreType.DMA])
    def _scatter_rows(x_hbm, p0_hbm, p1_hbm, w0_hbm, w1_hbm,
                      out_hbm, sw_hbm, idx0, idx1, buf_v, wb0, wb1, sem):
        wid = lax.axis_index("s") * NC + lax.axis_index("c")
        base = wid * _TPW
        pltpu.sync_copy(p0_hbm.at[pl.ds(base, _TPW)], idx0)
        pltpu.sync_copy(p1_hbm.at[pl.ds(base, _TPW)], idx1)
        pltpu.sync_copy(x_hbm.at[pl.ds(base, _TPW)], buf_v)
        pltpu.sync_copy(w0_hbm.at[pl.ds(base, _TPW)], wb0)
        pltpu.sync_copy(w1_hbm.at[pl.ds(base, _TPW)], wb1)
        pltpu.async_copy(buf_v, out_hbm.at[idx0], sem).wait()
        pltpu.async_copy(buf_v, out_hbm.at[idx1], sem).wait()
        pltpu.async_copy(wb0, sw_hbm.at[idx0], sem).wait()
        pltpu.async_copy(wb1, sw_hbm.at[idx1], sem).wait()

    return _scatter_rows



def _moe_body(meta_ref, x_ref, gu_ref, dn_ref, sw_ref, y_ref):
    @pl.when(meta_ref[pl.program_id(0)] >= 0)
    def _():
        x = x_ref[...]
        z = lax.dot_general(
            x, gu_ref[0], (((1,), (1,)), ((), ())),
            preferred_element_type=F32)
        g = z[:, :FF]
        u = z[:, FF:]
        h = g * jax.nn.sigmoid(g) * u
        o = lax.dot_general(
            h, dn_ref[0], (((1,), (1,)), ((), ())),
            preferred_element_type=F32)
        y_ref[...] = o * sw_ref[:, 0:1]


def _moe(block_meta, x_sorted, gate_up_proj, down_proj, sw):
    grid_spec = pltpu.PrefetchScalarGridSpec(
        num_scalar_prefetch=1,
        grid=(NB,),
        in_specs=[
            pl.BlockSpec((R, H),
                         lambda b, m: (jnp.where(m[b] < 0, 0, b), 0)),
            pl.BlockSpec((1, 2 * FF, H),
                         lambda b, m: (jnp.maximum(m[b], 0), 0, 0)),
            pl.BlockSpec((1, H, FF),
                         lambda b, m: (jnp.maximum(m[b], 0), 0, 0)),
            pl.BlockSpec((R, 128),
                         lambda b, m: (jnp.where(m[b] < 0, 0, b), 0)),
        ],
        out_specs=pl.BlockSpec(
            (R, H), lambda b, m: (jnp.where(m[b] < 0, NB - 1, b), 0)),
    )
    return pl.pallas_call(
        _moe_body,
        grid_spec=grid_spec,
        out_shape=jax.ShapeDtypeStruct((NPAD, H), F32),
    )(block_meta, x_sorted, gate_up_proj, down_proj, sw)



@functools.cache
def _combine_add_kernel():
    @functools.partial(
        pl.kernel, mesh=_sc_mesh(),
        out_type=jax.ShapeDtypeStruct((T, H), F32),
        scratch_types=[pltpu.VMEM((2 * _TPW,), I32),
                       pltpu.VMEM((2 * _TPW, H), F32),
                       pltpu.SemaphoreType.DMA])
    def _combine_add(y_hbm, p0_hbm, p1_hbm, out_hbm, idx_v, buf_v, sem):
        wid = lax.axis_index("s") * NC + lax.axis_index("c")
        base = wid * _TPW
        pltpu.sync_copy(p0_hbm.at[pl.ds(base, _TPW)], idx_v.at[pl.ds(0, _TPW)])
        pltpu.sync_copy(p1_hbm.at[pl.ds(base, _TPW)],
                        idx_v.at[pl.ds(_TPW, _TPW)])
        pltpu.async_copy(y_hbm.at[idx_v], buf_v, sem).wait()

        def row(r, carry):
            def col(c, carry2):
                sl = pl.ds(c * L, L)
                buf_v[r, sl] = buf_v[r, sl] + buf_v[r + _TPW, sl]
                return carry2
            return lax.fori_loop(0, H // L, col, carry)

        lax.fori_loop(0, _TPW, row, 0)
        pltpu.sync_copy(buf_v.at[pl.ds(0, _TPW)], out_hbm.at[pl.ds(base, _TPW)])

    return _combine_add



def kernel(layer_input, gate_weight, gate_up_proj, down_proj):
    b, s, h = layer_input.shape
    x = layer_input.reshape(-1, h)
    topi, topw = _router(x, gate_weight)
    block_expert, pos0, pos1 = _dispatch(topi)
    ones16 = jnp.ones((1, 128), F32)
    w0e = topw[:, 0:1] * ones16
    w1e = topw[:, 1:2] * ones16
    x_sorted, sw = _scatter_rows_kernel()(x, pos0, pos1, w0e, w1e)
    y_sorted = _moe(block_expert, x_sorted, gate_up_proj, down_proj, sw)
    out = _combine_add_kernel()(y_sorted, pos0, pos1)
    return out.reshape(b, s, h)

# --- scband reference (transcript-rebuilt; emitter-appended) ---
"""Pipeline reference for scband-hfscatter-mo-egated-mlp-33998961115696 (READ-ONLY COPY).

The authoritative reference and input builder live on the scoring server;
editing this copy changes nothing except your own understanding.
"""

import jax, jax.numpy as jnp
import numpy as np

E = 64
TOP_K = 2
H = 768
FF = 128
B = 1
S = 2048


def setup_inputs(seed: int = 0) -> dict:
    key = jax.random.key(seed)
    k1, k2, k3, k4 = jax.random.split(key, 4)
    layer_input = jax.random.normal(k1, (B, S, H), dtype=jnp.float32)
    gate_weight = jax.random.normal(k2, (E, H), dtype=jnp.float32) * 0.02
    gate_up_proj = jax.random.normal(k3, (E, 2 * FF, H), dtype=jnp.float32) * 0.02
    down_proj = jax.random.normal(k4, (E, H, FF), dtype=jnp.float32) * 0.02
    return {
        "layer_input": layer_input,
        "gate_weight": gate_weight,
        "gate_up_proj": gate_up_proj,
        "down_proj": down_proj,
    }


def reference(layer_input, gate_weight, gate_up_proj, down_proj):
    b, s, h = layer_input.shape
    x = layer_input.reshape(-1, h)  # [T, H]
    # Router: F.linear(x, gate.weight) -> softmax in float32 -> topk -> renorm
    router_logits = x @ gate_weight.T  # [T, E]
    routing_weights = jax.nn.softmax(router_logits.astype(jnp.float32), axis=-1)
    topw, topi = jax.lax.top_k(routing_weights, TOP_K)  # [T, k]
    topw = topw / jnp.sum(topw, axis=-1, keepdims=True)  # norm_topk_prob=True
    topw = topw.astype(x.dtype)
    # Expert gated MLP. The ScatterMoE kernel computes, for each (token, selected
    # expert) pair: gates, up = chunk(x @ gate_up_proj[e].T, 2); h = silu(gates)*up;
    # out = (h @ down_proj[e].T) * routing_weight. We compute all experts densely
    # (fixed shapes) and gather the selected ones -- mathematically identical.
    gu = jnp.einsum('th,efh->etf', x, gate_up_proj)  # [E, T, 2*FF]
    g, u = jnp.split(gu, 2, axis=-1)
    hh = jax.nn.silu(g) * u  # act_fn(gates) * h, act_fn = silu
    eo = jnp.einsum('etf,ehf->eth', hh, down_proj)  # [E, T, H]
    eo_t = jnp.transpose(eo, (1, 0, 2))  # [T, E, H]
    sel = jnp.take_along_axis(eo_t, topi[..., None], axis=1)  # [T, k, H]
    out = jnp.sum(topw[..., None] * sel, axis=1)  # [T, H]
    return out.reshape(b, s, h)

if __name__ == "__main__":
    import jax
    _d = setup_inputs()
    print(jax.jit(kernel)(*tuple(_d.values())))

</pallas_src>

<mosaic_0001>
#map = affine_map<(d0, d1) -> (0, 0)>
#map1 = affine_map<(d0, d1) -> (0)>
module attributes {stable_mosaic.version = 14 : i64} {
  func.func @_scatter_rows(%arg0: i32, %arg1: i32, %arg2: memref<2048x768xf32, #tpu.memory_space<hbm>>, %arg3: memref<2048xi32, #tpu.memory_space<hbm>>, %arg4: memref<2048xi32, #tpu.memory_space<hbm>>, %arg5: memref<2048x128xf32, #tpu.memory_space<hbm>>, %arg6: memref<2048x128xf32, #tpu.memory_space<hbm>>, %arg7: memref<12288x768xf32, #tpu.memory_space<hbm>>, %arg8: memref<12288x128xf32, #tpu.memory_space<hbm>>, %arg9: memref<64xi32, #tpu.memory_space<vmem>>, %arg10: memref<64xi32, #tpu.memory_space<vmem>>, %arg11: memref<64x768xf32, #tpu.memory_space<vmem>>, %arg12: memref<64x128xf32, #tpu.memory_space<vmem>>, %arg13: memref<64x128xf32, #tpu.memory_space<vmem>>, %arg14: memref<!tpu.dma_semaphore, #tpu.memory_space<semaphore_mem>>) attributes {dimension_semantics = [#tpu.dimension_semantics<core_parallel>, #tpu.dimension_semantics<subcore_parallel>], iteration_bounds = array<i64: 2, 16>, scalar_prefetch = 0 : i64, scratch_operands = 6 : i64, tpu.core_type = #tpu.core_type<sc_vector_subcore>, window_params = [{transform_indices = #map}, {transform_indices = #map1}, {transform_indices = #map1}, {transform_indices = #map}, {transform_indices = #map}, {transform_indices = #map}, {transform_indices = #map}]} {
    %mul3A = arith.constant 2 : i32
    %mul3A_0 = arith.muli %arg1, %mul3A : i32
    %add3A = arith.addi %mul3A_0, %arg0 : i32
    %mul3A_1 = arith.constant 64 : i32
    %mul3A_2 = arith.muli %add3A, %mul3A_1 : i32
    "tpu.region"() ({
      %run_scoped3A = tpu.sem_alloc : memref<!tpu.dma_semaphore, #tpu.memory_space<semaphore_mem>>
      %dma_start3A_25 = tpu.memref_slice %arg3[%mul3A_2] : memref<2048xi32, #tpu.memory_space<hbm>> -> memref<64xi32, #tpu.memory_space<hbm>>
      %dma_start3A_26 = tpu.memref_slice %arg3[%mul3A_2] : memref<2048xi32, #tpu.memory_space<hbm>> -> memref<64xi32, #tpu.memory_space<hbm>>
      tpu.enqueue_dma source(%dma_start3A_26 : memref<64xi32, #tpu.memory_space<hbm>>) target(%arg9 : memref<64xi32, #tpu.memory_space<vmem>>) target_semaphore(%run_scoped3A : memref<!tpu.dma_semaphore, #tpu.memory_space<semaphore_mem>>)
      %dma_wait3A_27 = tpu.memref_slice %arg3[%mul3A_2] : memref<2048xi32, #tpu.memory_space<hbm>> -> memref<64xi32, #tpu.memory_space<hbm>>
      %dma_wait3A_28 = tpu.memref_slice %arg3[%mul3A_2] : memref<2048xi32, #tpu.memory_space<hbm>> -> memref<64xi32, #tpu.memory_space<hbm>>
      tpu.wait_dma2 semaphore(%run_scoped3A : memref<!tpu.dma_semaphore, #tpu.memory_space<semaphore_mem>>) src(%dma_wait3A_28 : memref<64xi32, #tpu.memory_space<hbm>>) dst(%arg9 : memref<64xi32, #tpu.memory_space<vmem>>)
      tpu.yield
    }) : () -> ()
    "tpu.region"() ({
      %run_scoped3A = tpu.sem_alloc : memref<!tpu.dma_semaphore, #tpu.memory_space<semaphore_mem>>
      %dma_start3A_25 = tpu.memref_slice %arg4[%mul3A_2] : memref<2048xi32, #tpu.memory_space<hbm>> -> memref<64xi32, #tpu.memory_space<hbm>>
      %dma_start3A_26 = tpu.memref_slice %arg4[%mul3A_2] : memref<2048xi32, #tpu.memory_space<hbm>> -> memref<64xi32, #tpu.memory_space<hbm>>
      tpu.enqueue_dma source(%dma_start3A_26 : memref<64xi32, #tpu.memory_space<hbm>>) target(%arg10 : memref<64xi32, #tpu.memory_space<vmem>>) target_semaphore(%run_scoped3A : memref<!tpu.dma_semaphore, #tpu.memory_space<semaphore_mem>>)
      %dma_wait3A_27 = tpu.memref_slice %arg4[%mul3A_2] : memref<2048xi32, #tpu.memory_space<hbm>> -> memref<64xi32, #tpu.memory_space<hbm>>
      %dma_wait3A_28 = tpu.memref_slice %arg4[%mul3A_2] : memref<2048xi32, #tpu.memory_space<hbm>> -> memref<64xi32, #tpu.memory_space<hbm>>
      tpu.wait_dma2 semaphore(%run_scoped3A : memref<!tpu.dma_semaphore, #tpu.memory_space<semaphore_mem>>) src(%dma_wait3A_28 : memref<64xi32, #tpu.memory_space<hbm>>) dst(%arg10 : memref<64xi32, #tpu.memory_space<vmem>>)
      tpu.yield
    }) : () -> ()
    "tpu.region"() ({
      %run_scoped3A = tpu.sem_alloc : memref<!tpu.dma_semaphore, #tpu.memory_space<semaphore_mem>>
      %dma_start3A_25 = arith.constant 0 : i32
      %dma_start3A_26 = tpu.memref_slice %arg2[%mul3A_2, %dma_start3A_25] : memref<2048x768xf32, #tpu.memory_space<hbm>> -> memref<64x768xf32, #tpu.memory_space<hbm>>
      %dma_start3A_27 = arith.constant 0 : i32
      %dma_start3A_28 = tpu.memref_slice %arg2[%mul3A_2, %dma_start3A_27] : memref<2048x768xf32, #tpu.memory_space<hbm>> -> memref<64x768xf32, #tpu.memory_space<hbm>>
      tpu.enqueue_dma source(%dma_start3A_28 : memref<64x768xf32, #tpu.memory_space<hbm>>) target(%arg11 : memref<64x768xf32, #tpu.memory_space<vmem>>) target_semaphore(%run_scoped3A : memref<!tpu.dma_semaphore, #tpu.memory_space<semaphore_mem>>)
      %dma_wait3A_29 = arith.constant 0 : i32
      %dma_wait3A_30 = tpu.memref_slice %arg2[%mul3A_2, %dma_wait3A_29] : memref<2048x768xf32, #tpu.memory_space<hbm>> -> memref<64x768xf32, #tpu.memory_space<hbm>>
      %dma_wait3A_31 = arith.constant 0 : i32
      %dma_wait3A_32 = tpu.memref_slice %arg2[%mul3A_2, %dma_wait3A_31] : memref<2048x768xf32, #tpu.memory_space<hbm>> -> memref<64x768xf32, #tpu.memory_space<hbm>>
      tpu.wait_dma2 semaphore(%run_scoped3A : memref<!tpu.dma_semaphore, #tpu.memory_space<semaphore_mem>>) src(%dma_wait3A_32 : memref<64x768xf32, #tpu.memory_space<hbm>>) dst(%arg11 : memref<64x768xf32, #tpu.memory_space<vmem>>)
      tpu.yield
    }) : () -> ()
    "tpu.region"() ({
      %run_scoped3A = tpu.sem_alloc : memref<!tpu.dma_semaphore, #tpu.memory_space<semaphore_mem>>
      %dma_start3A_25 = arith.constant 0 : i32
      %dma_start3A_26 = tpu.memref_slice %arg5[%mul3A_2, %dma_start3A_25] : memref<2048x128xf32, #tpu.memory_space<hbm>> -> memref<64x128xf32, #tpu.memory_space<hbm>>
      %dma_start3A_27 = arith.constant 0 : i32
      %dma_start3A_28 = tpu.memref_slice %arg5[%mul3A_2, %dma_start3A_27] : memref<2048x128xf32, #tpu.memory_space<hbm>> -> memref<64x128xf32, #tpu.memory_space<hbm>>
      tpu.enqueue_dma source(%dma_start3A_28 : memref<64x128xf32, #tpu.memory_space<hbm>>) target(%arg12 : memref<64x128xf32, #tpu.memory_space<vmem>>) target_semaphore(%run_scoped3A : memref<!tpu.dma_semaphore, #tpu.memory_space<semaphore_mem>>)
      %dma_wait3A_29 = arith.constant 0 : i32
      %dma_wait3A_30 = tpu.memref_slice %arg5[%mul3A_2, %dma_wait3A_29] : memref<2048x128xf32, #tpu.memory_space<hbm>> -> memref<64x128xf32, #tpu.memory_space<hbm>>
      %dma_wait3A_31 = arith.constant 0 : i32
      %dma_wait3A_32 = tpu.memref_slice %arg5[%mul3A_2, %dma_wait3A_31] : memref<2048x128xf32, #tpu.memory_space<hbm>> -> memref<64x128xf32, #tpu.memory_space<hbm>>
      tpu.wait_dma2 semaphore(%run_scoped3A : memref<!tpu.dma_semaphore, #tpu.memory_space<semaphore_mem>>) src(%dma_wait3A_32 : memref<64x128xf32, #tpu.memory_space<hbm>>) dst(%arg12 : memref<64x128xf32, #tpu.memory_space<vmem>>)
      tpu.yield
    }) : () -> ()
    "tpu.region"() ({
      %run_scoped3A = tpu.sem_alloc : memref<!tpu.dma_semaphore, #tpu.memory_space<semaphore_mem>>
      %dma_start3A_25 = arith.constant 0 : i32
      %dma_start3A_26 = tpu.memref_slice %arg6[%mul3A_2, %dma_start3A_25] : memref<2048x128xf32, #tpu.memory_space<hbm>> -> memref<64x128xf32, #tpu.memory_space<hbm>>
      %dma_start3A_27 = arith.constant 0 : i32
      %dma_start3A_28 = tpu.memref_slice %arg6[%mul3A_2, %dma_start3A_27] : memref<2048x128xf32, #tpu.memory_space<hbm>> -> memref<64x128xf32, #tpu.memory_space<hbm>>
      tpu.enqueue_dma source(%dma_start3A_28 : memref<64x128xf32, #tpu.memory_space<hbm>>) target(%arg13 : memref<64x128xf32, #tpu.memory_space<vmem>>) target_semaphore(%run_scoped3A : memref<!tpu.dma_semaphore, #tpu.memory_space<semaphore_mem>>)
      %dma_wait3A_29 = arith.constant 0 : i32
      %dma_wait3A_30 = tpu.memref_slice %arg6[%mul3A_2, %dma_wait3A_29] : memref<2048x128xf32, #tpu.memory_space<hbm>> -> memref<64x128xf32, #tpu.memory_space<hbm>>
      %dma_wait3A_31 = arith.constant 0 : i32
      %dma_wait3A_32 = tpu.memref_slice %arg6[%mul3A_2, %dma_wait3A_31] : memref<2048x128xf32, #tpu.memory_space<hbm>> -> memref<64x128xf32, #tpu.memory_space<hbm>>
      tpu.wait_dma2 semaphore(%run_scoped3A : memref<!tpu.dma_semaphore, #tpu.memory_space<semaphore_mem>>) src(%dma_wait3A_32 : memref<64x128xf32, #tpu.memory_space<hbm>>) dst(%arg13 : memref<64x128xf32, #tpu.memory_space<vmem>>)
      tpu.yield
    }) : () -> ()
    %dma_start3A = arith.constant 0 : i32
    %dma_start3A_3 = arith.constant 0 : i32
    %dma_start3A_4 = tpu.memref_slice %arg7[%dma_start3A, %dma_start3A_3] : memref<12288x768xf32, #tpu.memory_space<hbm>> -> memref<12288x768xf32, #tpu.memory_space<hbm>>
    tpu.enqueue_indirect_dma source(%arg11 : memref<64x768xf32, #tpu.memory_space<vmem>>) target(%dma_start3A_4 : memref<12288x768xf32, #tpu.memory_space<hbm>>) offsets(%arg9 : memref<64xi32, #tpu.memory_space<vmem>>) semaphore(%arg14 : memref<!tpu.dma_semaphore, #tpu.memory_space<semaphore_mem>>)
    %dma_wait3A = arith.constant 0 : i32
    %dma_wait3A_5 = arith.constant 0 : i32
    %dma_wait3A_6 = tpu.memref_slice %arg7[%dma_wait3A, %dma_wait3A_5] : memref<12288x768xf32, #tpu.memory_space<hbm>> -> memref<12288x768xf32, #tpu.memory_space<hbm>>
    tpu.wait_indirect_dma semaphore(%arg14 : memref<!tpu.dma_semaphore, #tpu.memory_space<semaphore_mem>>) src(%arg11 : memref<64x768xf32, #tpu.memory_space<vmem>>) dst(%dma_wait3A_6 : memref<12288x768xf32, #tpu.memory_space<hbm>>)
    %dma_start3A_7 = arith.constant 0 : i32
    %dma_start3A_8 = arith.constant 0 : i32
    %dma_start3A_9 = tpu.memref_slice %arg7[%dma_start3A_7, %dma_start3A_8] : memref<12288x768xf32, #tpu.memory_space<hbm>> -> memref<12288x768xf32, #tpu.memory_space<hbm>>
    tpu.enqueue_indirect_dma source(%arg11 : memref<64x768xf32, #tpu.memory_space<vmem>>) target(%dma_start3A_9 : memref<12288x768xf32, #tpu.memory_space<hbm>>) offsets(%arg10 : memref<64xi32, #tpu.memory_space<vmem>>) semaphore(%arg14 : memref<!tpu.dma_semaphore, #tpu.memory_space<semaphore_mem>>)
    %dma_wait3A_10 = arith.constant 0 : i32
    %dma_wait3A_11 = arith.constant 0 : i32
    %dma_wait3A_12 = tpu.memref_slice %arg7[%dma_wait3A_10, %dma_wait3A_11] : memref<12288x768xf32, #tpu.memory_space<hbm>> -> memref<12288x768xf32, #tpu.memory_space<hbm>>
    tpu.wait_indirect_dma semaphore(%arg14 : memref<!tpu.dma_semaphore, #tpu.memory_space<semaphore_mem>>) src(%arg11 : memref<64x768xf32, #tpu.memory_space<vmem>>) dst(%dma_wait3A_12 : memref<12288x768xf32, #tpu.memory_space<hbm>>)
    %dma_start3A_13 = arith.constant 0 : i32
    %dma_start3A_14 = arith.constant 0 : i32
    %dma_start3A_15 = tpu.memref_slice %arg8[%dma_start3A_13, %dma_start3A_14] : memref<12288x128xf32, #tpu.memory_space<hbm>> -> memref<12288x128xf32, #tpu.memory_space<hbm>>
    tpu.enqueue_indirect_dma source(%arg12 : memref<64x128xf32, #tpu.memory_space<vmem>>) target(%dma_start3A_15 : memref<12288x128xf32, #tpu.memory_space<hbm>>) offsets(%arg9 : memref<64xi32, #tpu.memory_space<vmem>>) semaphore(%arg14 : memref<!tpu.dma_semaphore, #tpu.memory_space<semaphore_mem>>)
    %dma_wait3A_16 = arith.constant 0 : i32
    %dma_wait3A_17 = arith.constant 0 : i32
    %dma_wait3A_18 = tpu.memref_slice %arg8[%dma_wait3A_16, %dma_wait3A_17] : memref<12288x128xf32, #tpu.memory_space<hbm>> -> memref<12288x128xf32, #tpu.memory_space<hbm>>
    tpu.wait_indirect_dma semaphore(%arg14 : memref<!tpu.dma_semaphore, #tpu.memory_space<semaphore_mem>>) src(%arg12 : memref<64x128xf32, #tpu.memory_space<vmem>>) dst(%dma_wait3A_18 : memref<12288x128xf32, #tpu.memory_space<hbm>>)
    %dma_start3A_19 = arith.constant 0 : i32
    %dma_start3A_20 = arith.constant 0 : i32
    %dma_start3A_21 = tpu.memref_slice %arg8[%dma_start3A_19, %dma_start3A_20] : memref<12288x128xf32, #tpu.memory_space<hbm>> -> memref<12288x128xf32, #tpu.memory_space<hbm>>
    tpu.enqueue_indirect_dma source(%arg13 : memref<64x128xf32, #tpu.memory_space<vmem>>) target(%dma_start3A_21 : memref<12288x128xf32, #tpu.memory_space<hbm>>) offsets(%arg10 : memref<64xi32, #tpu.memory_space<vmem>>) semaphore(%arg14 : memref<!tpu.dma_semaphore, #tpu.memory_space<semaphore_mem>>)
    %dma_wait3A_22 = arith.constant 0 : i32
    %dma_wait3A_23 = arith.constant 0 : i32
    %dma_wait3A_24 = tpu.memref_slice %arg8[%dma_wait3A_22, %dma_wait3A_23] : memref<12288x128xf32, #tpu.memory_space<hbm>> -> memref<12288x128xf32, #tpu.memory_space<hbm>>
    tpu.wait_indirect_dma semaphore(%arg14 : memref<!tpu.dma_semaphore, #tpu.memory_space<semaphore_mem>>) src(%arg13 : memref<64x128xf32, #tpu.memory_space<vmem>>) dst(%dma_wait3A_24 : memref<12288x128xf32, #tpu.memory_space<hbm>>)
    return
  }
}

#map = affine_map<(d0, d1) -> (0, 0)>
#map1 = affine_map<(d0, d1) -> (0)>
module attributes {stable_mosaic.version = 14 : i64} {
  func.func @_combine_add(%arg0: i32, %arg1: i32, %arg2: memref<12288x768xf32, #tpu.memory_space<hbm>>, %arg3: memref<2048xi32, #tpu.memory_space<hbm>>, %arg4: memref<2048xi32, #tpu.memory_space<hbm>>, %arg5: memref<2048x768xf32, #tpu.memory_space<hbm>>, %arg6: memref<128xi32, #tpu.memory_space<vmem>>, %arg7: memref<128x768xf32, #tpu.memory_space<vmem>>, %arg8: memref<!tpu.dma_semaphore, #tpu.memory_space<semaphore_mem>>) attributes {dimension_semantics = [#tpu.dimension_semantics<core_parallel>, #tpu.dimension_semantics<subcore_parallel>], iteration_bounds = array<i64: 2, 16>, scalar_prefetch = 0 : i64, scratch_operands = 3 : i64, tpu.core_type = #tpu.core_type<sc_vector_subcore>, window_params = [{transform_indices = #map}, {transform_indices = #map1}, {transform_indices = #map1}, {transform_indices = #map}]} {
    %mul3A = arith.constant 2 : i32
    %mul3A_0 = arith.muli %arg1, %mul3A : i32
    %add3A = arith.addi %mul3A_0, %arg0 : i32
    %mul3A_1 = arith.constant 64 : i32
    %mul3A_2 = arith.muli %add3A, %mul3A_1 : i32
    "tpu.region"() ({
      %run_scoped3A = tpu.sem_alloc : memref<!tpu.dma_semaphore, #tpu.memory_space<semaphore_mem>>
      %dma_start3A_12 = arith.constant 0 : i32
      %dma_start3A_13 = tpu.memref_slice %arg6[%dma_start3A_12] : memref<128xi32, #tpu.memory_space<vmem>> -> memref<64xi32, #tpu.memory_space<vmem>>
      %dma_start3A_14 = tpu.memref_slice %arg3[%mul3A_2] : memref<2048xi32, #tpu.memory_space<hbm>> -> memref<64xi32, #tpu.memory_space<hbm>>
      %dma_start3A_15 = arith.constant 0 : i32
      %dma_start3A_16 = tpu.memref_slice %arg6[%dma_start3A_15] : memref<128xi32, #tpu.memory_space<vmem>> -> memref<64xi32, #tpu.memory_space<vmem>>
      %dma_start3A_17 = tpu.memref_slice %arg3[%mul3A_2] : memref<2048xi32, #tpu.memory_space<hbm>> -> memref<64xi32, #tpu.memory_space<hbm>>
      tpu.enqueue_dma source(%dma_start3A_17 : memref<64xi32, #tpu.memory_space<hbm>>) target(%dma_start3A_16 : memref<64xi32, #tpu.memory_space<vmem>>) target_semaphore(%run_scoped3A : memref<!tpu.dma_semaphore, #tpu.memory_space<semaphore_mem>>)
      %dma_wait3A_18 = arith.constant 0 : i32
      %dma_wait3A_19 = tpu.memref_slice %arg6[%dma_wait3A_18] : memref<128xi32, #tpu.memory_space<vmem>> -> memref<64xi32, #tpu.memory_space<vmem>>
      %dma_wait3A_20 = tpu.memref_slice %arg3[%mul3A_2] : memref<2048xi32, #tpu.memory_space<hbm>> -> memref<64xi32, #tpu.memory_space<hbm>>
      %dma_wait3A_21 = arith.constant 0 : i32
      %dma_wait3A_22 = tpu.memref_slice %arg6[%dma_wait3A_21] : memref<128xi32, #tpu.memory_space<vmem>> -> memref<64xi32, #tpu.memory_space<vmem>>
      %dma_wait3A_23 = tpu.memref_slice %arg3[%mul3A_2] : memref<2048xi32, #tpu.memory_space<hbm>> -> memref<64xi32, #tpu.memory_space<hbm>>
      tpu.wait_dma2 semaphore(%run_scoped3A : memref<!tpu.dma_semaphore, #tpu.memory_space<semaphore_mem>>) src(%dma_wait3A_23 : memref<64xi32, #tpu.memory_space<hbm>>) dst(%dma_wait3A_22 : memref<64xi32, #tpu.memory_space<vmem>>)
      tpu.yield
    }) : () -> ()
    "tpu.region"() ({
      %run_scoped3A = tpu.sem_alloc : memref<!tpu.dma_semaphore, #tpu.memory_space<semaphore_mem>>
      %dma_start3A_12 = arith.constant 64 : i32
      %dma_start3A_13 = tpu.memref_slice %arg6[%dma_start3A_12] : memref<128xi32, #tpu.memory_space<vmem>> -> memref<64xi32, #tpu.memory_space<vmem>>
      %dma_start3A_14 = tpu.memref_slice %arg4[%mul3A_2] : memref<2048xi32, #tpu.memory_space<hbm>> -> memref<64xi32, #tpu.memory_space<hbm>>
      %dma_start3A_15 = arith.constant 64 : i32
      %dma_start3A_16 = tpu.memref_slice %arg6[%dma_start3A_15] : memref<128xi32, #tpu.memory_space<vmem>> -> memref<64xi32, #tpu.memory_space<vmem>>
      %dma_start3A_17 = tpu.memref_slice %arg4[%mul3A_2] : memref<2048xi32, #tpu.memory_space<hbm>> -> memref<64xi32, #tpu.memory_space<hbm>>
      tpu.enqueue_dma source(%dma_start3A_17 : memref<64xi32, #tpu.memory_space<hbm>>) target(%dma_start3A_16 : memref<64xi32, #tpu.memory_space<vmem>>) target_semaphore(%run_scoped3A : memref<!tpu.dma_semaphore, #tpu.memory_space<semaphore_mem>>)
      %dma_wait3A_18 = arith.constant 64 : i32
      %dma_wait3A_19 = tpu.memref_slice %arg6[%dma_wait3A_18] : memref<128xi32, #tpu.memory_space<vmem>> -> memref<64xi32, #tpu.memory_space<vmem>>
      %dma_wait3A_20 = tpu.memref_slice %arg4[%mul3A_2] : memref<2048xi32, #tpu.memory_space<hbm>> -> memref<64xi32, #tpu.memory_space<hbm>>
      %dma_wait3A_21 = arith.constant 64 : i32
      %dma_wait3A_22 = tpu.memref_slice %arg6[%dma_wait3A_21] : memref<128xi32, #tpu.memory_space<vmem>> -> memref<64xi32, #tpu.memory_space<vmem>>
      %dma_wait3A_23 = tpu.memref_slice %arg4[%mul3A_2] : memref<2048xi32, #tpu.memory_space<hbm>> -> memref<64xi32, #tpu.memory_space<hbm>>
      tpu.wait_dma2 semaphore(%run_scoped3A : memref<!tpu.dma_semaphore, #tpu.memory_space<semaphore_mem>>) src(%dma_wait3A_23 : memref<64xi32, #tpu.memory_space<hbm>>) dst(%dma_wait3A_22 : memref<64xi32, #tpu.memory_space<vmem>>)
      tpu.yield
    }) : () -> ()
    %dma_start3A = arith.constant 0 : i32
    %dma_start3A_3 = arith.constant 0 : i32
    %dma_start3A_4 = tpu.memref_slice %arg2[%dma_start3A, %dma_start3A_3] : memref<12288x768xf32, #tpu.memory_space<hbm>> -> memref<12288x768xf32, #tpu.memory_space<hbm>>
    tpu.enqueue_indirect_dma source(%dma_start3A_4 : memref<12288x768xf32, #tpu.memory_space<hbm>>) target(%arg7 : memref<128x768xf32, #tpu.memory_space<vmem>>) offsets(%arg6 : memref<128xi32, #tpu.memory_space<vmem>>) semaphore(%arg8 : memref<!tpu.dma_semaphore, #tpu.memory_space<semaphore_mem>>)
    %dma_wait3A = arith.constant 0 : i32
    %dma_wait3A_5 = arith.constant 0 : i32
    %dma_wait3A_6 = tpu.memref_slice %arg2[%dma_wait3A, %dma_wait3A_5] : memref<12288x768xf32, #tpu.memory_space<hbm>> -> memref<12288x768xf32, #tpu.memory_space<hbm>>
    tpu.wait_indirect_dma semaphore(%arg8 : memref<!tpu.dma_semaphore, #tpu.memory_space<semaphore_mem>>) src(%dma_wait3A_6 : memref<12288x768xf32, #tpu.memory_space<hbm>>) dst(%arg7 : memref<128x768xf32, #tpu.memory_space<vmem>>)
    %scan3A = arith.constant 0 : i32
    %scan3A_7 = arith.constant 0 : i32
    %scan3A_8 = arith.constant 64 : i32
    %scan3A_9 = arith.addi %scan3A_7, %scan3A_8 : i32
    %scan3A_10 = arith.constant 1 : i32
    scf.for %scan3A_12 = %scan3A_7 to %scan3A_9 step %scan3A_10  : i32 {
      %scan3A_13 = arith.constant 0 : i32
      %scan3A_14 = arith.constant 48 : i32
      %scan3A_15 = arith.addi %scan3A_13, %scan3A_14 : i32
      %scan3A_16 = arith.constant 1 : i32
      scf.for %scan3A_18 = %scan3A_13 to %scan3A_15 step %scan3A_16  : i32 {
        %mul3A_19 = arith.constant 16 : i32
        %mul3A_20 = arith.muli %scan3A_18, %mul3A_19 : i32
        %get3A = arith.index_cast %scan3A_12 : i32 to index
        %get3A_21 = arith.index_cast %mul3A_20 : i32 to index
        %get3A_22 = tpu.vector_load %arg7[%get3A, %get3A_21] {strides = array<i32>} : memref<128x768xf32, #tpu.memory_space<vmem>>, vector<1x16xf32>,
        %get3A_23 = vector.shape_cast %get3A_22 : vector<1x16xf32> to vector<16xf32>
        %add3A_24 = arith.constant 64 : i32
        %add3A_25 = arith.addi %scan3A_12, %add3A_24 : i32
        %get3A_26 = arith.index_cast %add3A_25 : i32 to index
        %get3A_27 = arith.index_cast %mul3A_20 : i32 to index
        %get3A_28 = tpu.vector_load %arg7[%get3A_26, %get3A_27] {strides = array<i32>} : memref<128x768xf32, #tpu.memory_space<vmem>>, vector<1x16xf32>,
        %get3A_29 = vector.shape_cast %get3A_28 : vector<1x16xf32> to vector<16xf32>
        %add3A_30 = arith.addf %get3A_23, %get3A_29 : vector<16xf32>
        %swap3A = arith.index_cast %scan3A_12 : i32 to index
        %swap3A_31 = arith.index_cast %mul3A_20 : i32 to index
        %swap3A_32 = tpu.vector_load %arg7[%swap3A, %swap3A_31] {strides = array<i32>} : memref<128x768xf32, #tpu.memory_space<vmem>>, vector<1x16xf32>,
        %swap3A_33 = vector.shape_cast %swap3A_32 : vector<1x16xf32> to vector<16xf32>
        %swap3A_34 = vector.shape_cast %add3A_30 : vector<16xf32> to vector<1x16xf32>
        tpu.vector_store %arg7[%swap3A, %swap3A_31], %swap3A_34 {strides = array<i32>} : memref<128x768xf32, #tpu.memory_space<vmem>>, vector<1x16xf32>,
      }
      %scan3A_17 = arith.constant 48 : i32
    }
    %scan3A_11 = arith.constant 64 : i32
    "tpu.region"() ({
      %run_scoped3A = tpu.sem_alloc : memref<!tpu.dma_semaphore, #tpu.memory_space<semaphore_mem>>
      %dma_start3A_12 = arith.constant 0 : i32
      %dma_start3A_13 = arith.constant 0 : i32
      %dma_start3A_14 = tpu.memref_slice %arg7[%dma_start3A_12, %dma_start3A_13] : memref<128x768xf32, #tpu.memory_space<vmem>> -> memref<64x768xf32, #tpu.memory_space<vmem>>
      %dma_start3A_15 = arith.constant 0 : i32
      %dma_start3A_16 = tpu.memref_slice %arg5[%mul3A_2, %dma_start3A_15] : memref<2048x768xf32, #tpu.memory_space<hbm>> -> memref<64x768xf32, #tpu.memory_space<hbm>>
      %dma_start3A_17 = arith.constant 0 : i32
      %dma_start3A_18 = tpu.memref_slice %arg5[%mul3A_2, %dma_start3A_17] : memref<2048x768xf32, #tpu.memory_space<hbm>> -> memref<64x768xf32, #tpu.memory_space<hbm>>
      %dma_start3A_19 = arith.constant 0 : i32
      %dma_start3A_20 = arith.constant 0 : i32
      %dma_start3A_21 = tpu.memref_slice %arg7[%dma_start3A_19, %dma_start3A_20] : memref<128x768xf32, #tpu.memory_space<vmem>> -> memref<64x768xf32, #tpu.memory_space<vmem>>
      tpu.enqueue_dma source(%dma_start3A_21 : memref<64x768xf32, #tpu.memory_space<vmem>>) target(%dma_start3A_18 : memref<64x768xf32, #tpu.memory_space<hbm>>) target_semaphore(%run_scoped3A : memref<!tpu.dma_semaphore, #tpu.memory_space<semaphore_mem>>)
      %dma_wait3A_22 = arith.constant 0 : i32
      %dma_wait3A_23 = arith.constant 0 : i32
      %dma_wait3A_24 = tpu.memref_slice %arg7[%dma_wait3A_22, %dma_wait3A_23] : memref<128x768xf32, #tpu.memory_space<vmem>> -> memref<64x768xf32, #tpu.memory_space<vmem>>
      %dma_wait3A_25 = arith.constant 0 : i32
      %dma_wait3A_26 = tpu.memref_slice %arg5[%mul3A_2, %dma_wait3A_25] : memref<2048x768xf32, #tpu.memory_space<hbm>> -> memref<64x768xf32, #tpu.memory_space<hbm>>
      %dma_wait3A_27 = arith.constant 0 : i32
      %dma_wait3A_28 = tpu.memref_slice %arg5[%mul3A_2, %dma_wait3A_27] : memref<2048x768xf32, #tpu.memory_space<hbm>> -> memref<64x768xf32, #tpu.memory_space<hbm>>
      %dma_wait3A_29 = arith.constant 0 : i32
      %dma_wait3A_30 = arith.constant 0 : i32
      %dma_wait3A_31 = tpu.memref_slice %arg7[%dma_wait3A_29, %dma_wait3A_30] : memref<128x768xf32, #tpu.memory_space<vmem>> -> memref<64x768xf32, #tpu.memory_space<vmem>>
      tpu.wait_dma2 semaphore(%run_scoped3A : memref<!tpu.dma_semaphore, #tpu.memory_space<semaphore_mem>>) src(%dma_wait3A_31 : memref<64x768xf32, #tpu.memory_space<vmem>>) dst(%dma_wait3A_28 : memref<64x768xf32, #tpu.memory_space<hbm>>)
      tpu.yield
    }) : () -> ()
    return
  }
}

module attributes {stable_mosaic.version = 14 : i64} {
  func.func @_router_body(%arg0: i32, %arg1: memref<512x768xf32, #tpu.memory_space<vmem>>, %arg2: memref<64x768xf32, #tpu.memory_space<vmem>>, %arg3: memref<512x2xi32, #tpu.memory_space<vmem>>, %arg4: memref<512x2xf32, #tpu.memory_space<vmem>>) attributes {dimension_semantics = [#tpu.dimension_semantics<arbitrary>], iteration_bounds = array<i64: 4>, scalar_prefetch = 0 : i64, scratch_operands = 0 : i64, tpu.core_type = #tpu.core_type<tc>, window_params = [{transform_indices = @transform_0, window_bounds = array<i64: 512, 768>}, {pipeline_mode = #tpu.pipeline_mode<synchronous>, transform_indices = @transform_1, window_bounds = array<i64: 64, 768>}, {transform_indices = @transform_2, window_bounds = array<i64: 512, 2>}, {transform_indices = @transform_3, window_bounds = array<i64: 512, 2>}]} {
    %get3A = arith.constant 0 : index
    %get3A_0 = arith.constant 0 : index
    %get3A_1 = vector.load %arg1[%get3A, %get3A_0] : memref<512x768xf32, #tpu.memory_space<vmem>>, vector<512x768xf32>
    %get3A_2 = arith.constant 0 : index
    %get3A_3 = arith.constant 0 : index
    %get3A_4 = vector.load %arg2[%get3A_2, %get3A_3] : memref<64x768xf32, #tpu.memory_space<vmem>>, vector<64x768xf32>
    %dot_general3A = arith.constant dense<0.000000e+00> : vector<512x64xf32>
    %dot_general3A_5 = tpu.matmul %get3A_1, %get3A_4, %dot_general3A {dimension_numbers = #tpu.dot_dimension_numbers<[1], [1], [0], [0], [0, 0, 1, 0], [], []>, transpose_lhs_hint = false} : vector<512x768xf32>, vector<64x768xf32>, vector<512x64xf32> -> vector<512x64xf32>
    %iota3A = tpu.iota {dimensions = array<i32: 1>} : vector<512x64xi32>
    %reduce_max3A = arith.constant dense<0xFF800000> : vector<512xf32>
    %reduce_max3A_6 = vector.multi_reduction <maximumf>, %dot_general3A_5, %reduce_max3A [1] : vector<512x64xf32> to vector<512xf32>
    %broadcast_in_dim3A = vector.shape_cast %reduce_max3A_6 : vector<512xf32> to vector<512x1xf32>
    %eq3A = vector.broadcast %broadcast_in_dim3A : vector<512x1xf32> to vector<512x64xf32>
    %eq3A_7 = arith.cmpf oeq, %dot_general3A_5, %eq3A : vector<512x64xf32>
    %jit3A = arith.constant 64 : i32
    %broadcast_in_dim3A_8 = vector.broadcast %jit3A : i32 to vector<512x64xi32>
    %select_n3A = arith.select %eq3A_7, %iota3A, %broadcast_in_dim3A_8 : vector<512x64xi1>, vector<512x64xi32>
    %reduce_min3A = arith.constant dense<2147483647> : vector<512xi32>
    %reduce_min3A_9 = vector.multi_reduction <minsi>, %select_n3A, %reduce_min3A [1] : vector<512x64xi32> to vector<512xi32>
    %broadcast_in_dim3A_10 = vector.shape_cast %reduce_min3A_9 : vector<512xi32> to vector<512x1xi32>
    %eq3A_11 = vector.broadcast %broadcast_in_dim3A_10 : vector<512x1xi32> to vector<512x64xi32>
    %eq3A_12 = arith.cmpi eq, %iota3A, %eq3A_11 : vector<512x64xi32>
    %jit3A_13 = arith.constant 0xFF800000 : f32
    %broadcast_in_dim3A_14 = vector.broadcast %jit3A_13 : f32 to vector<512x64xf32>
    %select_n3A_15 = arith.select %eq3A_12, %broadcast_in_dim3A_14, %dot_general3A_5 : vector<512x64xi1>, vector<512x64xf32>
    %reduce_max3A_16 = arith.constant dense<0xFF800000> : vector<512xf32>
    %reduce_max3A_17 = vector.multi_reduction <maximumf>, %select_n3A_15, %reduce_max3A_16 [1] : vector<512x64xf32> to vector<512xf32>
    %broadcast_in_dim3A_18 = vector.shape_cast %reduce_max3A_17 : vector<512xf32> to vector<512x1xf32>
    %eq3A_19 = vector.broadcast %broadcast_in_dim3A_18 : vector<512x1xf32> to vector<512x64xf32>
    %eq3A_20 = arith.cmpf oeq, %select_n3A_15, %eq3A_19 : vector<512x64xf32>
    %jit3A_21 = arith.constant 64 : i32
    %broadcast_in_dim3A_22 = vector.broadcast %jit3A_21 : i32 to vector<512x64xi32>
    %select_n3A_23 = arith.select %eq3A_20, %iota3A, %broadcast_in_dim3A_22 : vector<512x64xi1>, vector<512x64xi32>
    %reduce_min3A_24 = arith.constant dense<2147483647> : vector<512xi32>
    %reduce_min3A_25 = vector.multi_reduction <minsi>, %select_n3A_23, %reduce_min3A_24 [1] : vector<512x64xi32> to vector<512xi32>
    %broadcast_in_dim3A_26 = vector.shape_cast %reduce_min3A_25 : vector<512xi32> to vector<512x1xi32>
    %sub3A = arith.subf %broadcast_in_dim3A, %broadcast_in_dim3A_18 : vector<512x1xf32>
    %logistic3A = arith.negf %sub3A : vector<512x1xf32>
    %logistic3A_27 = math.exp %logistic3A : vector<512x1xf32>
    %logistic3A_28 = arith.constant 1.000000e+00 : f32
    %logistic3A_29 = vector.broadcast %logistic3A_28 : f32 to vector<512x1xf32>
    %logistic3A_30 = arith.addf %logistic3A_29, %logistic3A_27 : vector<512x1xf32>
    %logistic3A_31 = arith.divf %logistic3A_29, %logistic3A_30 : vector<512x1xf32>
    %concatenate3A = tpu.concatenate %broadcast_in_dim3A_10, %broadcast_in_dim3A_26 in 1 : vector<512x1xi32>, vector<512x1xi32> -> vector<512x2xi32>
    %swap3A = arith.constant 0 : index
    %swap3A_32 = arith.constant 0 : index
    %swap3A_33 = vector.load %arg3[%swap3A, %swap3A_32] : memref<512x2xi32, #tpu.memory_space<vmem>>, vector<512x2xi32>
    tpu.vector_store %arg3[%swap3A, %swap3A_32], %concatenate3A {strides = array<i32>} : memref<512x2xi32, #tpu.memory_space<vmem>>, vector<512x2xi32>,
    %sub3A_34 = arith.constant 1.000000e+00 : f32
    %sub3A_35 = vector.broadcast %sub3A_34 : f32 to vector<512x1xf32>
    %sub3A_36 = arith.subf %sub3A_35, %logistic3A_31 : vector<512x1xf32>
    %concatenate3A_37 = tpu.concatenate %logistic3A_31, %sub3A_36 in 1 : vector<512x1xf32>, vector<512x1xf32> -> vector<512x2xf32>
    %swap3A_38 = arith.constant 0 : index
    %swap3A_39 = arith.constant 0 : index
    %swap3A_40 = vector.load %arg4[%swap3A_38, %swap3A_39] : memref<512x2xf32, #tpu.memory_space<vmem>>, vector<512x2xf32>
    tpu.vector_store %arg4[%swap3A_38, %swap3A_39], %concatenate3A_37 {strides = array<i32>} : memref<512x2xf32, #tpu.memory_space<vmem>>, vector<512x2xf32>,
    return
  }
  func.func @transform_0(%arg0: i32) -> (i32, i32) {
    %c0_i32 = arith.constant 0 : i32
    %c0_i32_0 = arith.constant 0 : i32
    return %arg0, %c0_i32 : i32, i32
  }
  func.func @transform_1(%arg0: i32) -> (i32, i32) {
    %c0_i32 = arith.constant 0 : i32
    %c0_i32_0 = arith.constant 0 : i32
    %c0_i32_1 = arith.constant 0 : i32
    return %c0_i32, %c0_i32_0 : i32, i32
  }
  func.func @transform_2(%arg0: i32) -> (i32, i32) {
    %c0_i32 = arith.constant 0 : i32
    %c0_i32_0 = arith.constant 0 : i32
    return %arg0, %c0_i32 : i32, i32
  }
  func.func @transform_3(%arg0: i32) -> (i32, i32) {
    %c0_i32 = arith.constant 0 : i32
    %c0_i32_0 = arith.constant 0 : i32
    return %arg0, %c0_i32 : i32, i32
  }
}

module attributes {stable_mosaic.version = 14 : i64} {
  func.func @_moe_body(%arg0: i32, %arg1: memref<96xi32, #tpu.memory_space<smem>>, %arg2: memref<128x768xf32, #tpu.memory_space<vmem>>, %arg3: memref<1x256x768xf32, #tpu.memory_space<vmem>>, %arg4: memref<1x768x128xf32, #tpu.memory_space<vmem>>, %arg5: memref<128x128xf32, #tpu.memory_space<vmem>>, %arg6: memref<128x768xf32, #tpu.memory_space<vmem>>) attributes {dimension_semantics = [#tpu.dimension_semantics<arbitrary>], iteration_bounds = array<i64: 96>, scalar_prefetch = 1 : i64, scratch_operands = 0 : i64, tpu.core_type = #tpu.core_type<tc>, window_params = [{transform_indices = @transform_0, window_bounds = array<i64: 128, 768>}, {transform_indices = @transform_1, window_bounds = array<i64: 1, 256, 768>}, {transform_indices = @transform_2, window_bounds = array<i64: 1, 768, 128>}, {transform_indices = @transform_3, window_bounds = array<i64: 128, 128>}, {transform_indices = @transform_4, window_bounds = array<i64: 128, 768>}]} {
    %get3A = arith.index_cast %arg0 : i32 to index
    %get3A_0 = memref.load %arg1[%get3A] : memref<96xi32, #tpu.memory_space<smem>>
    %ge3A = arith.constant 0 : i32
    %ge3A_1 = arith.cmpi sge, %get3A_0, %ge3A : i32
    %convert_element_type3A = arith.extui %ge3A_1 : i1 to i32
    %cond3A = arith.constant 0 : i32
    %cond3A_2 = arith.cmpi ne, %convert_element_type3A, %cond3A : i32
    scf.if %cond3A_2 {
      %get3A_3 = arith.constant 0 : index
      %get3A_4 = arith.constant 0 : index
      %get3A_5 = vector.load %arg2[%get3A_3, %get3A_4] : memref<128x768xf32, #tpu.memory_space<vmem>>, vector<128x768xf32>
      %get3A_6 = arith.constant 0 : index
      %get3A_7 = arith.constant 0 : index
      %get3A_8 = arith.constant 0 : index
      %get3A_9 = vector.load %arg3[%get3A_6, %get3A_7, %get3A_8] : memref<1x256x768xf32, #tpu.memory_space<vmem>>, vector<1x256x768xf32>
      %get3A_10 = vector.shape_cast %get3A_9 : vector<1x256x768xf32> to vector<256x768xf32>
      %dot_general3A = arith.constant dense<0.000000e+00> : vector<128x256xf32>
      %dot_general3A_11 = tpu.matmul %get3A_5, %get3A_10, %dot_general3A {dimension_numbers = #tpu.dot_dimension_numbers<[1], [1], [0], [0], [0, 0, 1, 0], [], []>, transpose_lhs_hint = false} : vector<128x768xf32>, vector<256x768xf32>, vector<128x256xf32> -> vector<128x256xf32>
      %slice3A = vector.extract_strided_slice %dot_general3A_11 {offsets = [0, 0], sizes = [128, 128], strides = [1, 1]} : vector<128x256xf32> to vector<128x128xf32>
      %slice3A_12 = vector.extract_strided_slice %dot_general3A_11 {offsets = [0, 128], sizes = [128, 128], strides = [1, 1]} : vector<128x256xf32> to vector<128x128xf32>
      %logistic3A = arith.negf %slice3A : vector<128x128xf32>
      %logistic3A_13 = math.exp %logistic3A : vector<128x128xf32>
      %logistic3A_14 = arith.constant 1.000000e+00 : f32
      %logistic3A_15 = vector.broadcast %logistic3A_14 : f32 to vector<128x128xf32>
      %logistic3A_16 = arith.addf %logistic3A_15, %logistic3A_13 : vector<128x128xf32>
      %logistic3A_17 = arith.divf %logistic3A_15, %logistic3A_16 : vector<128x128xf32>
      %mul3A = arith.mulf %slice3A, %logistic3A_17 : vector<128x128xf32>
      %mul3A_18 = arith.mulf %mul3A, %slice3A_12 : vector<128x128xf32>
      %get3A_19 = arith.constant 0 : index
      %get3A_20 = arith.constant 0 : index
      %get3A_21 = arith.constant 0 : index
      %get3A_22 = vector.load %arg4[%get3A_19, %get3A_20, %get3A_21] : memref<1x768x128xf32, #tpu.memory_space<vmem>>, vector<1x768x128xf32>
      %get3A_23 = vector.shape_cast %get3A_22 : vector<1x768x128xf32> to vector<768x128xf32>
      %dot_general3A_24 = arith.constant dense<0.000000e+00> : vector<128x768xf32>
      %dot_general3A_25 = tpu.matmul %mul3A_18, %get3A_23, %dot_general3A_24 {dimension_numbers = #tpu.dot_dimension_numbers<[1], [1], [0], [0], [0, 0, 1, 0], [], []>, transpose_lhs_hint = false} : vector<128x128xf32>, vector<768x128xf32>, vector<128x768xf32> -> vector<128x768xf32>
      %get3A_26 = arith.constant 0 : index
      %get3A_27 = arith.constant 0 : index
      %get3A_28 = vector.load %arg5[%get3A_26, %get3A_27] : memref<128x128xf32, #tpu.memory_space<vmem>>, vector<128x1xf32>
      %mul3A_29 = vector.broadcast %get3A_28 : vector<128x1xf32> to vector<128x768xf32>
      %mul3A_30 = arith.mulf %dot_general3A_25, %mul3A_29 : vector<128x768xf32>
      %swap3A = arith.constant 0 : index
      %swap3A_31 = arith.constant 0 : index
      %swap3A_32 = vector.load %arg6[%swap3A, %swap3A_31] : memref<128x768xf32, #tpu.memory_space<vmem>>, vector<128x768xf32>
      tpu.vector_store %arg6[%swap3A, %swap3A_31], %mul3A_30 {strides = array<i32>} : memref<128x768xf32, #tpu.memory_space<vmem>>, vector<128x768xf32>,
    } else {
    }
    return
  }
  func.func @transform_0(%arg0: i32, %arg1: memref<96xi32, #tpu.memory_space<smem>>) -> (i32, i32) {
    %get3A = arith.index_cast %arg0 : i32 to index
    %get3A_0 = memref.load %arg1[%get3A] : memref<96xi32, #tpu.memory_space<smem>>
    %lt3A = arith.constant 0 : i32
    %lt3A_1 = arith.cmpi slt, %get3A_0, %lt3A : i32
    %jit3A = arith.constant 0 : i32
    %select_n3A = arith.select %lt3A_1, %jit3A, %arg0 : i32
    %c0_i32 = arith.constant 0 : i32
    %c0_i32_2 = arith.constant 0 : i32
    return %select_n3A, %c0_i32 : i32, i32
  }
  func.func @transform_1(%arg0: i32, %arg1: memref<96xi32, #tpu.memory_space<smem>>) -> (i32, i32, i32) {
    %get3A = arith.index_cast %arg0 : i32 to index
    %get3A_0 = memref.load %arg1[%get3A] : memref<96xi32, #tpu.memory_space<smem>>
    %max3A = arith.constant 0 : i32
    %max3A_1 = arith.maxsi %get3A_0, %max3A : i32
    %c0_i32 = arith.constant 0 : i32
    %c0_i32_2 = arith.constant 0 : i32
    %c0_i32_3 = arith.constant 0 : i32
    return %max3A_1, %c0_i32, %c0_i32_2 : i32, i32, i32
  }
  func.func @transform_2(%arg0: i32, %arg1: memref<96xi32, #tpu.memory_space<smem>>) -> (i32, i32, i32) {
    %get3A = arith.index_cast %arg0 : i32 to index
    %get3A_0 = memref.load %arg1[%get3A] : memref<96xi32, #tpu.memory_space<smem>>
    %max3A = arith.constant 0 : i32
    %max3A_1 = arith.maxsi %get3A_0, %max3A : i32
    %c0_i32 = arith.constant 0 : i32
    %c0_i32_2 = arith.constant 0 : i32
    %c0_i32_3 = arith.constant 0 : i32
    return %max3A_1, %c0_i32, %c0_i32_2 : i32, i32, i32
  }
  func.func @transform_3(%arg0: i32, %arg1: memref<96xi32, #tpu.memory_space<smem>>) -> (i32, i32) {
    %get3A = arith.index_cast %arg0 : i32 to index
    %get3A_0 = memref.load %arg1[%get3A] : memref<96xi32, #tpu.memory_space<smem>>
    %lt3A = arith.constant 0 : i32
    %lt3A_1 = arith.cmpi slt, %get3A_0, %lt3A : i32
    %jit3A = arith.constant 0 : i32
    %select_n3A = arith.select %lt3A_1, %jit3A, %arg0 : i32
    %c0_i32 = arith.constant 0 : i32
    %c0_i32_2 = arith.constant 0 : i32
    return %select_n3A, %c0_i32 : i32, i32
  }
  func.func @transform_4(%arg0: i32, %arg1: memref<96xi32, #tpu.memory_space<smem>>) -> (i32, i32) {
    %get3A = arith.index_cast %arg0 : i32 to index
    %get3A_0 = memref.load %arg1[%get3A] : memref<96xi32, #tpu.memory_space<smem>>
    %lt3A = arith.constant 0 : i32
    %lt3A_1 = arith.cmpi slt, %get3A_0, %lt3A : i32
    %jit3A = arith.constant 95 : i32
    %select_n3A = arith.select %lt3A_1, %jit3A, %arg0 : i32
    %c0_i32 = arith.constant 0 : i32
    %c0_i32_2 = arith.constant 0 : i32
    return %select_n3A, %c0_i32 : i32, i32
  }
}

</mosaic_0001>

<sc_bundles>
// kernel: kernel.6.cloned.1.call-start
scs
__scs_entry_jumppad:
0x0: {  	(pc) =	sbr.rel $0x88, $3  }
0x1: {  	(tag) =	ssettag $0x0;
	lr =	simm.s32 $0x1  }
0x2: {  	[smem:$0x3F9D] =	sst lr;
	_ =	strace $0xD0000000  }
0x3: {  	_ = 	snop  }
0x4: {  	_ = 	snop  }
0x5: {  	_ = 	snop  }
0x6: {  	_ = 	snop  }
0x7: {  	_ = 	snop  }
__scs_overlays_trampoline_lowered:
0x8: {  	[smem:$0x3FAC] =	sst s0  }
0x9: {  	[smem:$0x3FAD] =	sst s1  }
0xa: {  	[smem:$0x3FAE] =	sst s2  }
0xb: {  	[smem:$0x3FAF] =	sst s3  }
0xc: {  	[smem:$0x3FB0] =	sst s4  }
0xd: {  	[smem:$0x3FB1] =	sst s5  }
0xe: {  	[smem:$0x3FB2] =	sst s6  }
0xf: {  	[smem:$0x3FB3] =	sst s7  }
0x10: {  	[smem:$0x3FB4] =	sst s8  }
0x11: {  	[smem:$0x3FB5] =	sst s9;
	s0 =	simm.s32 @!p0 $0x0  }
0x12: {  	s1 =	sld [smem:$0x3F9B];
	s0 =	simm.s32 @p0 $0x1  }
0x13: {  	[smem:$0x3FB6] =	sst s0;
	s0 =	simm.s32 @!p1 $0x0  }
0x14: {  	s2 =	sld [smem:$0x3F9A];
	s0 =	simm.s32 @p1 $0x1  }
0x15: {  	[smem:$0x3FB7] =	sst s0;
	s0 =	simm.s32 @!p2 $0x0  }
0x16: {  	s3 =	sld [smem:$0x3FDB];
	s0 =	simm.s32 @p2 $0x1  }
0x17: {  	s4 =	simm.s32 $0x1BF5;
	[smem:$0x3FB9] =	sst s0  }
0x18: {  	s0 =	sld [smem:$0x3F9C];
	_ =	swait.ge [sflag:s4], $0x0  }
0x19: {  	s7 =	sld [smem:$0x3F9D]  }
0x1a: {  	s8 =	sadd.s32 $0xFFFFE003, lr  }
0x1b: {  	s9 =	sadd.s32 $0xFFFFFEF7, lr;
	s5 =	simm.s32 $0xFFFFFFFF;
	p2 =	slt.u32 s8, $0xFFFFF086  }
0x1c: {  	p1 =	slt.u32 s9, $0xF7A;
	s5 =	simm.s32 @!p2 $0x0  }
0x1d: {  	s5 =	simm.s32 @p1 $0x1;
	p0 =	seq.s32 s7, s2  }
0x1e: {  	s7 =	smul.u32 @!p0 $0xF7A, s2;
	p2 =	seq.s32 @!p0 s5, $0x0  }
0x1f: {  	s9 =	smul.u32 $0xF7A, s1;
	s8 =	simm.s32 @!p0 $0x1BF5;
	p2 =	por !p2, p0  }
0x20: {  	[sflag:s8] =	ssyncset.s32 @!p0 $0xFFFFF086;
	s6 =	sadd.s32 @!p0 s3, s7;
	s7 =	simm.s32 @!p0 $0x108  }
0x21: {  	s3 =	sadd.s32 s3, s9;
	s6 =	sadd.s32 @!p0 $0x88, s6;
	s7 =	simm.s32 @p2 $0x1082  }
0x22: {  	[simem:s7], [sflag:s8] =	dma.local @!p0 [hbm:s6], $0xF7A  }
0x23: {  	s9 =	sor.u32 $0xD0000000, s2;
	s6 =	simm.s32 $0x108;
	_ =	swait.ge @!p0 [sflag:s8], $0x0  }
0x24: {  	s3 =	sadd.s32 $0x88, s3;
	s6 =	simm.s32 @!p1 $0x1082;
	[sflag:s4] =	ssyncset.s32 $0xFFFFF086  }
0x25: {  	[simem:s6], [sflag:s4] =	dma.local [hbm:s3], $0xF7A  }
0x26: {  	[smem:$0x3F9D] =	sst s1;
	(tag) =	ssettag s2;
	_ =	strace s9  }
0x27: {  	s1 =	sld [smem:$0x3FAD]  }
0x28: {  	s2 =	sld [smem:$0x3FAE]  }
0x29: {  	s4 =	sld [smem:$0x3FB0]  }
0x2a: {  	p0 =	seq.s32 s5, $0x0;
	s5 =	sld [smem:$0x3FB1]  }
0x2b: {  	s6 =	sld [smem:$0x3FB2]  }
0x2c: {  	s7 =	sld [smem:$0x3FB3]  }
0x2d: {  	s3 =	simm.s32 $0x108;
	s8 =	sld [smem:$0x3FB4]  }
0x2e: {  	s3 =	simm.s32 @!p0 $0x1082;
	s9 =	sld [smem:$0x3FB5]  }
0x2f: {  	lr =	sadd.s32 s0, s3;
	s0 =	sld [smem:$0x3FAC]  }
0x30: {  	s3 =	sld [smem:$0x3FAF]  }
0x31: {  	[smem:$0x3FB8] =	sst s10  }
0x32: {  	s10 =	sld [smem:$0x3FB6];
	_ =	sdelay $0x3  }
0x33: {  	p0 =	seq.s32 s10, $0x1;
	s10 =	sld [smem:$0x3FB8];
	_ =	sdelay $0x3  }
0x34: {  	[smem:$0x3FB8] =	sst s10  }
0x35: {  	s10 =	sld [smem:$0x3FB7];
	_ =	sdelay $0x3  }
0x36: {  	p1 =	seq.s32 s10, $0x1;
	s10 =	sld [smem:$0x3FB8];
	_ =	sdelay $0x3  }
0x37: {  	[smem:$0x3FB8] =	sst s10  }
0x38: {  	s10 =	sld [smem:$0x3FB9]  }
0x39: {  	_ = 	snop;
	(pc) =	sbr.ind lr, $3  }
0x3a: {  	_ = 	snop  }
0x3b: {  	_ = 	snop  }
0x3c: {  	p2 =	seq.s32 s10, $0x1;
	s10 =	sld [smem:$0x3FB8]  }
0x3d: {  	_ =	shalt  }
0x3e: {  	_ =	shalt  }
0x3f: {  	_ =	shalt  }
0x40: {  	_ =	shalt  }
0x41: {  	_ =	shalt  }
0x42: {  	_ =	shalt  }
0x43: {  	_ =	shalt  }
0x44: {  	_ =	shalt  }
0x45: {  	_ =	shalt  }
0x46: {  	_ =	shalt  }
0x47: {  	_ =	shalt  }
0x48: {  	_ =	shalt  }
0x49: {  	_ =	shalt  }
0x4a: {  	_ =	shalt  }
0x4b: {  	_ =	shalt  }
0x4c: {  	_ =	shalt  }
0x4d: {  	_ =	shalt  }
0x4e: {  	_ =	shalt  }
0x4f: {  	_ =	shalt  }
0x50: {  	_ =	shalt  }
0x51: {  	_ =	shalt  }
0x52: {  	_ =	shalt  }
0x53: {  	_ =	shalt  }
0x54: {  	_ =	shalt  }
0x55: {  	_ =	shalt  }
0x56: {  	_ =	shalt  }
0x57: {  	_ =	shalt  }
0x58: {  	_ =	shalt  }
0x59: {  	_ =	shalt  }
0x5a: {  	_ =	shalt  }
0x5b: {  	_ =	shalt  }
0x5c: {  	_ =	shalt  }
0x5d: {  	_ =	shalt  }
0x5e: {  	_ =	shalt  }
0x5f: {  	_ =	shalt  }
0x60: {  	_ =	shalt  }
0x61: {  	_ =	shalt  }
0x62: {  	_ =	shalt  }
0x63: {  	_ =	shalt  }
0x64: {  	_ =	shalt  }
0x65: {  	_ =	shalt  }
0x66: {  	_ =	shalt  }
0x67: {  	_ =	shalt  }
0x68: {  	_ =	shalt  }
0x69: {  	_ =	shalt  }
0x6a: {  	_ =	shalt  }
0x6b: {  	_ =	shalt  }
0x6c: {  	_ =	shalt  }
0x6d: {  	_ =	shalt  }
0x6e: {  	_ =	shalt  }
0x6f: {  	_ =	shalt  }
0x70: {  	_ =	shalt  }
0x71: {  	_ =	shalt  }
0x72: {  	_ =	shalt  }
0x73: {  	_ =	shalt  }
0x74: {  	_ =	shalt  }
0x75: {  	_ =	shalt  }
0x76: {  	_ =	shalt  }
0x77: {  	_ =	shalt  }
0x78: {  	_ =	shalt  }
0x79: {  	_ =	shalt  }
0x7a: {  	_ =	shalt  }
0x7b: {  	_ =	shalt  }
0x7c: {  	_ =	shalt  }
0x7d: {  	_ =	shalt  }
0x7e: {  	_ =	shalt  }
0x7f: {  	_ =	shalt  }
0x80: {  	_ =	shalt  }
0x81: {  	_ =	shalt  }
0x82: {  	_ =	shalt  }
0x83: {  	_ =	shalt  }
0x84: {  	_ =	shalt  }
0x85: {  	_ =	shalt  }
0x86: {  	_ =	shalt  }
0x87: {  	_ =	shalt  }
.Lfunc_end0:
.L_simem_size_0:
called_computation_lowered:
.L_overlay_start_0:
0x88: {  	s2 =	sld [smem:$0x3FD9]  }
0x89: {  	s3 =	sld [smem:$0x3FFE];
	_ =	sdelay $0x1  }
0x8a: {  	s1 =	srdreg.scid  }
0x8b: {  	s0 =	sand.u32 $0x1, s1  }
0x8c: {  	s17 =	sshll.u32 s0, $0xA;
	s2 =	sadd.s32 s3, s2  }
0x8d: {  	s2 =	sadd.s32 s2, s17  }
0x8e: {  	[smem:$0x3FC4] =	sst s2  }
0x8f: {  	_ = 	snop  }
0x90: {  	s2 =	sld [smem:$0x3FC9]  }
0x91: {  	s18 =	sld [smem:$0x3FD0];
	(tm) =	ssettm $0x1  }
0x92: {  	s4 =	sld [smem:$0x3FFB];
	_ =	sdelay $0x3  }
0x93: {  	_ =	strace s4  }
0x94: {  	s4 =	sld [smem:$0x3FFC];
	_ =	sdelay $0x3  }
0x95: {  	_ =	strace s4  }
0x96: {  	s4 =	sld [smem:$0x3FFD];
	_ =	sdelay $0x3  }
0x97: {  	_ =	strace s4  }
0x98: {  	_ =	strace $0x8FFFFFFF  }
0x99: {  	s19 =	sld [smem:$0x3FDB];
	_ =	sdelay $0x1  }
0x9a: {  	s5 =	simm.s32 $_scs_section_size  }
0x9b: {  	s6 =	simm.s32 $_size__tile_overlayer_lowered;
	s7 =	simm.s32 $_tile_overlayer_lowered  }
0x9c: {  	s22 =	simm.s32 $0x1BFF;
	s21 =	sshll.u32 s7, $0x1;
	s4 =	sadd.s32 s5, s19  }
0x9d: {  	s8 =	simm.s32 $0x0;
	s20 =	sshll.u32 s6, $0x1;
	s6 =	sadd.s32 s21, s4  }
0x9e: {  	[timem:s8], [sflag:s22] =	dma.local [hbm:s6], s20  }
0x9f: {  	_ =	swait.ge [sflag:s22], s20  }
0xa0: {  	s5 =	ssub.s32 $0x0, s20;
	[sflag:s22] =	ssyncset.done $0x0  }
0xa1: {  	[sflag:s22] =	ssyncadd.s32 s5;
	_ =	sdelay $0x1  }
0xa2: {  	s23 =	simm.s32 $0x1B8B  }
0xa3: {  	_ =	swait.ge [sflag:s23], $0x1  }
0xa4: {  	[sflag:s23] =	ssyncset.done $0x0  }
0xa5: {  	s25 =	simm.s32 $0x1B8E;
	s24 =	sld [smem:$0x3FFE];
	[sflag:s23] =	ssyncadd.s32 $0xFFFFFFFF  }
0xa6: {  	s26 =	simm.s32 $execute0_lowered;
	[smem:$0x3FD2] =	sst s25  }
0xa7: {  	s6 =	sshll.u32 s26, $0x1;
	_ =	strace $0x80000046;
	[dreg:$0x1] =	wrdreg $0xFFFFFFFF  }
0xa8: {  	s28 =	simm.s32 $_size_execute0_lowered;
	s4 =	sadd.s32 s4, s6;
	[dreg:$0x0] =	wrdreg $0x0  }
0xa9: {  	s6 =	sshll.u32 s28, $0x1;
	[dreg:$0x2] =	wrdreg s4  }
0xaa: {  	[dreg:$0x3] =	wrdreg s6  }
0xab: {  	[dreg:$0x4] =	wrdreg $0xC0  }
0xac: {  	_ =	task [dreg:s8], $0x5FFFF  }
0xad: {  	[dreg:$0x1] =	wrdreg $0xFFFFFFFF  }
0xae: {  	[dreg:$0x0] =	wrdreg $0x60  }
0xaf: {  	[dreg:$0x2] =	wrdreg s2  }
0xb0: {  	[dreg:$0x3] =	wrdreg s24  }
0xb1: {  	[dreg:$0x4] =	wrdreg s18  }
0xb2: {  	[dreg:$0x5] =	wrdreg $0x9  }
0xb3: {  	_ =	task.clear_ibuf [dreg:s8], $0x6FFFF;
	_ =	strace $0x90000046  }
0xb4: {  	s29 =	simm.s32 $0x9;
	_ =	strace $0x80000048  }
0xb5: {  	_ =	swait.ge [sflag:s29], $0x1  }
0xb6: {  	[sflag:s29] =	ssyncadd.s32 $0xFFFFFFFF  }
0xb7: {  	_ =	strace $0x90000048  }
0xb8: {  	_ =	sfence  }
0xb9: {  	s30 =	sld [smem:$0x0];
	_ =	sdelay $0x2  }
0xba: {  	s31 =	sshll.u32 s1, $0xD;
	s1 =	sshrl.u32 s1, $0x2  }
0xbb: {  	s3 =	sand.u32 $0x4000, s31;
	s1 =	sadd.s32 s1, s30  }
0xbc: {  	s0 =	sor.u32 s3, s0;
	s1 =	sshll.u32 s1, $0x11  }
0xbd: {  	s0 =	sor.u32 s1, s0  }
0xbe: {  	s0 =	sadd.s32 $0x8F2B, s0  }
0xbf: {  	[sflag:s0] =	ssyncadd.remote.s32 $0x1  }
0xc0: {  	_ =	sfence.sel $0xFFFF  }
0xc1: {  	[dreg:$0x0] =	wrdreg $0xFFFFFFFF;
	(pc) =	sbr.abs _section_cstart, $3  }
0xc2: {  	[dreg:$0x1] =	wrdreg $0xFFFFFFFF  }
0xc3: {  	_ =	task.clear_ibuf [dreg:s8], $0x2FFFF;
	_ =	strace $0x9FFFFFFF  }
0xc4: {  	(tm) =	ssettm $0x7FFFFFFF  }
0xc5: {  	_ =	shalt  }
tec
execute0_lowered:
.L_overlay_start_1:
0x0: {  	(tag) =	ssettag $0x1  }
0x1: {  	s0 =	srdreg.scid  }
0x2: {  	s1 =	rddreg [dreg:$0x0];
	s3 =	stileid.u32  }
0x3: {  	s2 =	rddreg [dreg:$0x1];
	s9 =	simm.s32 $0x2;
	s13 =	simm.s32 $0x1  }
0x4: {  	s19 =	simm.s32 $0x1100;
	s20 =	simm.s32 $0x1900;
	s21 =	simm.s32 $0x2100  }
0x5: {  	s22 =	simm.s32 $0x2900;
	s23 =	simm.s32 $0x3100;
	s28 =	simm.s32 $0x5100  }
0x6: {  	s29 =	simm.s32 $0x5900;
	s30 =	simm.s32 $0x6100;
	s31 =	simm.s32 $0x6900  }
0x7: {  	s16 =	simm.s32 $0x7900;
	s10 =	simm.s32 $0x9100;
	s12 =	simm.s32 $0x9900  }
0x8: {  	s14 =	simm.s32 $0xA100;
	s11 =	simm.s32 $0xA900;
	s17 =	simm.s32 $0xB100  }
0x9: {  	s18 =	simm.s32 $0xB900;
	s0 =	sand.u32 $0x1, s0;
	s3 =	sshll.u32 s3, $0x7  }
0xa: {  	s7 =	sadd.s32 $0x10600, s2;
	s4 =	sshll.u32 s0, $0x6;
	s0 =	ssub.s32 $0x2, s0  }
0xb: {  	s4 =	sor.u32 s4, s3;
	s3 =	simm.s32 $0x0;
	s25 =	sshrl.u32 s0, $0x1  }
0xc: {  	s5 =	sshrl.u32 s4, $0x3;
	[smem:$0x7FF] =	sst s3;
	s4 =	sshll.u32 s4, $0x4  }
0xd: {  	s0 =	ssub.s32 s0, s25;
	s25 =	simm.s32 $0x4100;
	s6 =	sadd.s32 s2, s5  }
0xe: {  	s5 =	smul.u32 $0x300, s5;
	_ =	strace $0x80000047;
	s4 =	sadd.s32 s4, s2  }
0xf: {  	s8 =	smax.u32 s0, $0x1;
	[dreg:$0x8] =	wrdreg s6;
	s6 =	sadd.s32 $0x200, s6  }
0x10: {  	s24 =	sadd.s32 $0x8400, s4;
	s26 =	sadd.s32 $0x400, s4;
	[dreg:$0x4] =	wrdreg s6  }
0x11: {  	v2 =	vlaneseq.u32;
	s4 =	simm.s32 $0x8900;
	s1 =	sadd.s32 s1, s5;
	[dreg:$0x6] =	wrdreg s24  }
0x12: {  	vm0 =	vmmov $0xffff;
	v1 =	vshrl.u32 v2, $0x3;
	s5 =	sadd.s32 $0x10400, s2;
	[dreg:$0x7] =	wrdreg s26;
	s6 =	sadd.s32 $0x10500, s2  }
0x13: {  	v0 =	vand.u32 $0x7, v2;
	v2 =	vor.u32 $0x8, v2;
	v1 =	vmul.u32 $0x8, v1;
	s24 =	simm.s32 $0x3900;
	s26 =	simm.s32 $0x4900;
	[dreg:$0x5] =	wrdreg s1  }
.LBB2_1:
0x14: {  	s15 =	rddreg [dreg:$0x4]  }
0x15: {  	[tilespmem:s3], [sflag:$0x2] =	stream.linear.gather [hbm4b:s15+s3], $0x40, $0x38;
	[tilespmem:$0x10100] =	vst v63  }
0x16: {  	_ =	swait.ge [sflag:s9], $0x40  }
0x17: {  	[sflag:s9] =	ssyncset.done $0x0  }
0x18: {  	s0 =	simm.s32 $0x80;
	s2 =	rddreg [dreg:$0x8];
	[sflag:s9] =	ssyncadd.s32 $0xFFFFFFC0  }
0x19: {  	[tilespmem:s0], [sflag:$0x2] =	stream.linear.gather [hbm4b:s2+s3], $0x40, $0x38;
	[tilespmem:$0x10100] =	vst v63  }
0x1a: {  	_ =	swait.ge [sflag:s9], $0x40  }
0x1b: {  	[sflag:s9] =	ssyncset.done $0x0  }
0x1c: {  	s0 =	simm.s32 $0x100;
	s1 =	rddreg [dreg:$0x5];
	[sflag:s9] =	ssyncadd.s32 $0xFFFFFFC0  }
0x1d: {  	[tilespmem:s0], [sflag:$0x2] =	stream.linear.gather [hbm4b:s1+s3], $0xC000, $0x38;
	[tilespmem:$0x10100] =	vst v63  }
0x1e: {  	_ =	swait.ge [sflag:s9], $0xC000  }
0x1f: {  	[sflag:s9] =	ssyncset.done $0x0  }
0x20: {  	s1 =	simm.s32 $0xC100;
	s2 =	rddreg [dreg:$0x6];
	[sflag:s9] =	ssyncadd.s32 $0xFFFF4000  }
0x21: {  	[tilespmem:s1], [sflag:$0x2] =	stream.linear.gather [hbm4b:s2+s3], $0x2000, $0x38;
	[tilespmem:$0x10100] =	vst v63  }
0x22: {  	_ =	swait.ge [sflag:s9], $0x2000  }
0x23: {  	[sflag:s9] =	ssyncset.done $0x0  }
0x24: {  	s2 =	simm.s32 $0xE100;
	s1 =	rddreg [dreg:$0x7];
	[sflag:s9] =	ssyncadd.s32 $0xFFFFE000  }
0x25: {  	[tilespmem:s2], [sflag:$0x2] =	stream.linear.gather [hbm4b:s1+s3], $0x2000, $0x38;
	[tilespmem:$0x10100] =	vst v63  }
0x26: {  	_ =	swait.ge [sflag:s9], $0x2000  }
0x27: {  	[sflag:s9] =	ssyncset.done $0x0  }
0x28: {  	[sflag:s9] =	ssyncadd.s32 $0xFFFFE000  }
0x29: {  	v3 =	vld [tilespmem:$0x0];
	_ =	sdelay $0x4  }
0x2a: {  	v4 =	vshrl.u32 v3, $0x3  }
0x2b: {  	v4 =	vmul.u32 $0x30, v4  }
0x2c: {  	v3 =	vand.u32 $0x7, v3  }
0x2d: {  	v3 =	vor.u32 v3, v4  }
0x2e: {  	v4 =	vperm.xlane v3, v0;
	_ =	sdelay $0x1  }
0x2f: {  	v4 =	vadd.s32 v1, v4;
	_ =	sdelay $0x3  }
0x30: {  	v3 =	vperm.xlane v3, v2  }
0x31: {  	[hbm4b:s5+s3] =	stream.indirect_vreg.scatter [tilespmem:s0], [sflag:$0x1], $0x80, v4, vm0, $0xb8;
	[tilespmem:$0x10100] =	vst v63  }
0x32: {  	s15 =	simm.s32 $0x900;
	v3 =	vadd.s32 v1, v3  }
0x33: {  	[hbm4b:s6+s3] =	stream.indirect_vreg.scatter [tilespmem:s15], [sflag:$0x1], $0x80, v4, vm0, $0xb8;
	[tilespmem:$0x10100] =	vst v63  }
0x34: {  	_ = 	snop  }
0x35: {  	[hbm4b:s7+s3] =	stream.indirect_vreg.scatter [tilespmem:s19], [sflag:$0x1], $0x80, v4, vm0, $0xb8;
	[tilespmem:$0x10100] =	vst v63  }
0x36: {  	_ = 	snop  }
0x37: {  	[hbm4b:s5+s3] =	stream.indirect_vreg.scatter [tilespmem:s20], [sflag:$0x1], $0x80, v3, vm0, $0xb8;
	[tilespmem:$0x10100] =	vst v63  }
0x38: {  	_ = 	snop  }
0x39: {  	[hbm4b:s6+s3] =	stream.indirect_vreg.scatter [tilespmem:s21], [sflag:$0x1], $0x80, v3, vm0, $0xb8;
	[tilespmem:$0x10100] =	vst v63  }
0x3a: {  	_ = 	snop  }
0x3b: {  	[hbm4b:s7+s3] =	stream.indirect_vreg.scatter [tilespmem:s22], [sflag:$0x1], $0x80, v3, vm0, $0xb8;
	[tilespmem:$0x10100] =	vst v63  }
0x3c: {  	v3 =	vld [tilespmem:$0x10];
	_ =	sdelay $0x4  }
0x3d: {  	v57 =	vshrl.u32 v3, $0x3  }
0x3e: {  	v4 =	vmul.u32 $0x30, v57  }
0x3f: {  	v3 =	vand.u32 $0x7, v3  }
0x40: {  	v3 =	vor.u32 v3, v4  }
0x41: {  	v4 =	vperm.xlane v3, v0;
	_ =	sdelay $0x1  }
0x42: {  	v4 =	vadd.s32 v1, v4;
	_ =	sdelay $0x3  }
0x43: {  	v3 =	vperm.xlane v3, v2  }
0x44: {  	[hbm4b:s5+s3] =	stream.indirect_vreg.scatter [tilespmem:s23], [sflag:$0x1], $0x80, v4, vm0, $0xb8;
	[tilespmem:$0x10100] =	vst v63  }
0x45: {  	v3 =	vadd.s32 v1, v3  }
0x46: {  	[hbm4b:s6+s3] =	stream.indirect_vreg.scatter [tilespmem:s24], [sflag:$0x1], $0x80, v4, vm0, $0xb8;
	[tilespmem:$0x10100] =	vst v63  }
0x47: {  	_ = 	snop  }
0x48: {  	[hbm4b:s7+s3] =	stream.indirect_vreg.scatter [tilespmem:s25], [sflag:$0x1], $0x80, v4, vm0, $0xb8;
	[tilespmem:$0x10100] =	vst v63  }
0x49: {  	_ = 	snop  }
0x4a: {  	[hbm4b:s5+s3] =	stream.indirect_vreg.scatter [tilespmem:s26], [sflag:$0x1], $0x80, v3, vm0, $0xb8;
	[tilespmem:$0x10100] =	vst v63  }
0x4b: {  	_ = 	snop  }
0x4c: {  	[hbm4b:s6+s3] =	stream.indirect_vreg.scatter [tilespmem:s28], [sflag:$0x1], $0x80, v3, vm0, $0xb8;
	[tilespmem:$0x10100] =	vst v63  }
0x4d: {  	_ = 	snop  }
0x4e: {  	[hbm4b:s7+s3] =	stream.indirect_vreg.scatter [tilespmem:s29], [sflag:$0x1], $0x80, v3, vm0, $0xb8;
	[tilespmem:$0x10100] =	vst v63  }
0x4f: {  	v3 =	vld [tilespmem:$0x20];
	_ =	sdelay $0x4  }
0x50: {  	v58 =	vshrl.u32 v3, $0x3  }
0x51: {  	v4 =	vmul.u32 $0x30, v58  }
0x52: {  	v3 =	vand.u32 $0x7, v3  }
0x53: {  	v3 =	vor.u32 v3, v4  }
0x54: {  	v4 =	vperm.xlane v3, v0;
	_ =	sdelay $0x1  }
0x55: {  	v4 =	vadd.s32 v1, v4;
	_ =	sdelay $0x3  }
0x56: {  	v3 =	vperm.xlane v3, v2  }
0x57: {  	[hbm4b:s5+s3] =	stream.indirect_vreg.scatter [tilespmem:s30], [sflag:$0x1], $0x80, v4, vm0, $0xb8;
	[tilespmem:$0x10100] =	vst v63  }
0x58: {  	v3 =	vadd.s32 v1, v3  }
0x59: {  	[hbm4b:s6+s3] =	stream.indirect_vreg.scatter [tilespmem:s31], [sflag:$0x1], $0x80, v4, vm0, $0xb8;
	[tilespmem:$0x10100] =	vst v63  }
0x5a: {  	s1 =	simm.s32 $0x7100  }
0x5b: {  	[hbm4b:s7+s3] =	stream.indirect_vreg.scatter [tilespmem:s1], [sflag:$0x1], $0x80, v4, vm0, $0xb8;
	[tilespmem:$0x10100] =	vst v63  }
0x5c: {  	_ = 	snop  }
0x5d: {  	[hbm4b:s5+s3] =	stream.indirect_vreg.scatter [tilespmem:s16], [sflag:$0x1], $0x80, v3, vm0, $0xb8;
	[tilespmem:$0x10100] =	vst v63  }
0x5e: {  	s2 =	simm.s32 $0x8100  }
0x5f: {  	[hbm4b:s6+s3] =	stream.indirect_vreg.scatter [tilespmem:s2], [sflag:$0x1], $0x80, v3, vm0, $0xb8;
	[tilespmem:$0x10100] =	vst v63  }
0x60: {  	_ = 	snop  }
0x61: {  	[hbm4b:s7+s3] =	stream.indirect_vreg.scatter [tilespmem:s4], [sflag:$0x1], $0x80, v3, vm0, $0xb8;
	[tilespmem:$0x10100] =	vst v63  }
0x62: {  	v3 =	vld [tilespmem:$0x30];
	_ =	sdelay $0x4  }
0x63: {  	v59 =	vshrl.u32 v3, $0x3  }
0x64: {  	v4 =	vmul.u32 $0x30, v59  }
0x65: {  	v3 =	vand.u32 $0x7, v3  }
0x66: {  	v3 =	vor.u32 v3, v4  }
0x67: {  	v4 =	vperm.xlane v3, v0;
	_ =	sdelay $0x1  }
0x68: {  	v4 =	vadd.s32 v1, v4;
	_ =	sdelay $0x3  }
0x69: {  	v3 =	vperm.xlane v3, v2  }
0x6a: {  	[hbm4b:s5+s3] =	stream.indirect_vreg.scatter [tilespmem:s10], [sflag:$0x1], $0x80, v4, vm0, $0xb8;
	[tilespmem:$0x10100] =	vst v63  }
0x6b: {  	v3 =	vadd.s32 v1, v3  }
0x6c: {  	[hbm4b:s6+s3] =	stream.indirect_vreg.scatter [tilespmem:s12], [sflag:$0x1], $0x80, v4, vm0, $0xb8;
	[tilespmem:$0x10100] =	vst v63  }
0x6d: {  	_ = 	snop  }
0x6e: {  	[hbm4b:s7+s3] =	stream.indirect_vreg.scatter [tilespmem:s14], [sflag:$0x1], $0x80, v4, vm0, $0xb8;
	[tilespmem:$0x10100] =	vst v63  }
0x6f: {  	_ = 	snop  }
0x70: {  	[hbm4b:s5+s3] =	stream.indirect_vreg.scatter [tilespmem:s11], [sflag:$0x1], $0x80, v3, vm0, $0xb8;
	[tilespmem:$0x10100] =	vst v63  }
0x71: {  	_ = 	snop  }
0x72: {  	[hbm4b:s6+s3] =	stream.indirect_vreg.scatter [tilespmem:s17], [sflag:$0x1], $0x80, v3, vm0, $0xb8;
	[tilespmem:$0x10100] =	vst v63  }
0x73: {  	_ = 	snop  }
0x74: {  	[hbm4b:s7+s3] =	stream.indirect_vreg.scatter [tilespmem:s18], [sflag:$0x1], $0x80, v3, vm0, $0xb8;
	[tilespmem:$0x10100] =	vst v63  }
0x75: {  	_ =	swait.ge [sflag:s13], $0xC000  }
0x76: {  	[sflag:s13] =	ssyncset.done $0x0  }
0x77: {  	[sflag:s13] =	ssyncadd.s32 $0xFFFF4000  }
0x78: {  	v3 =	vld [tilespmem:$0x80];
	_ =	sdelay $0x4  }
0x79: {  	v60 =	vshrl.u32 v3, $0x3  }
0x7a: {  	v4 =	vmul.u32 $0x30, v60  }
0x7b: {  	v3 =	vand.u32 $0x7, v3  }
0x7c: {  	v3 =	vor.u32 v3, v4  }
0x7d: {  	v4 =	vperm.xlane v3, v0;
	_ =	sdelay $0x1  }
0x7e: {  	v4 =	vadd.s32 v1, v4;
	_ =	sdelay $0x3  }
0x7f: {  	v3 =	vperm.xlane v3, v2  }
0x80: {  	[hbm4b:s5+s3] =	stream.indirect_vreg.scatter [tilespmem:s0], [sflag:$0x1], $0x80, v4, vm0, $0xb8;
	[tilespmem:$0x10100] =	vst v63  }
0x81: {  	v3 =	vadd.s32 v1, v3  }
0x82: {  	[hbm4b:s6+s3] =	stream.indirect_vreg.scatter [tilespmem:s15], [sflag:$0x1], $0x80, v4, vm0, $0xb8;
	[tilespmem:$0x10100] =	vst v63  }
0x83: {  	_ = 	snop  }
0x84: {  	[hbm4b:s7+s3] =	stream.indirect_vreg.scatter [tilespmem:s19], [sflag:$0x1], $0x80, v4, vm0, $0xb8;
	[tilespmem:$0x10100] =	vst v63  }
0x85: {  	_ = 	snop  }
0x86: {  	[hbm4b:s5+s3] =	stream.indirect_vreg.scatter [tilespmem:s20], [sflag:$0x1], $0x80, v3, vm0, $0xb8;
	[tilespmem:$0x10100] =	vst v63  }
0x87: {  	_ = 	snop  }
0x88: {  	[hbm4b:s6+s3] =	stream.indirect_vreg.scatter [tilespmem:s21], [sflag:$0x1], $0x80, v3, vm0, $0xb8;
	[tilespmem:$0x10100] =	vst v63  }
0x89: {  	_ = 	snop  }
0x8a: {  	[hbm4b:s7+s3] =	stream.indirect_vreg.scatter [tilespmem:s22], [sflag:$0x1], $0x80, v3, vm0, $0xb8;
	[tilespmem:$0x10100] =	vst v63  }
0x8b: {  	v3 =	vld [tilespmem:$0x90];
	_ =	sdelay $0x4  }
0x8c: {  	v61 =	vshrl.u32 v3, $0x3  }
0x8d: {  	v4 =	vmul.u32 $0x30, v61  }
0x8e: {  	v3 =	vand.u32 $0x7, v3  }
0x8f: {  	v3 =	vor.u32 v3, v4  }
0x90: {  	v4 =	vperm.xlane v3, v0;
	_ =	sdelay $0x1  }
0x91: {  	v4 =	vadd.s32 v1, v4;
	_ =	sdelay $0x3  }
0x92: {  	v3 =	vperm.xlane v3, v2  }
0x93: {  	[hbm4b:s5+s3] =	stream.indirect_vreg.scatter [tilespmem:s23], [sflag:$0x1], $0x80, v4, vm0, $0xb8;
	[tilespmem:$0x10100] =	vst v63  }
0x94: {  	v3 =	vadd.s32 v1, v3  }
0x95: {  	[hbm4b:s6+s3] =	stream.indirect_vreg.scatter [tilespmem:s24], [sflag:$0x1], $0x80, v4, vm0, $0xb8;
	[tilespmem:$0x10100] =	vst v63  }
0x96: {  	_ = 	snop  }
0x97: {  	[hbm4b:s7+s3] =	stream.indirect_vreg.scatter [tilespmem:s25], [sflag:$0x1], $0x80, v4, vm0, $0xb8;
	[tilespmem:$0x10100] =	vst v63  }
0x98: {  	_ = 	snop  }
0x99: {  	[hbm4b:s5+s3] =	stream.indirect_vreg.scatter [tilespmem:s26], [sflag:$0x1], $0x80, v3, vm0, $0xb8;
	[tilespmem:$0x10100] =	vst v63  }
0x9a: {  	_ = 	snop  }
0x9b: {  	[hbm4b:s6+s3] =	stream.indirect_vreg.scatter [tilespmem:s28], [sflag:$0x1], $0x80, v3, vm0, $0xb8;
	[tilespmem:$0x10100] =	vst v63  }
0x9c: {  	_ = 	snop  }
0x9d: {  	[hbm4b:s7+s3] =	stream.indirect_vreg.scatter [tilespmem:s29], [sflag:$0x1], $0x80, v3, vm0, $0xb8;
	[tilespmem:$0x10100] =	vst v63  }
0x9e: {  	v3 =	vld [tilespmem:$0xA0];
	_ =	sdelay $0x4  }
0x9f: {  	v62 =	vshrl.u32 v3, $0x3  }
0xa0: {  	v4 =	vmul.u32 $0x30, v62  }
0xa1: {  	v3 =	vand.u32 $0x7, v3  }
0xa2: {  	v3 =	vor.u32 v3, v4  }
0xa3: {  	v4 =	vperm.xlane v3, v0;
	_ =	sdelay $0x1  }
0xa4: {  	v4 =	vadd.s32 v1, v4;
	_ =	sdelay $0x3  }
0xa5: {  	v3 =	vperm.xlane v3, v2  }
0xa6: {  	[hbm4b:s5+s3] =	stream.indirect_vreg.scatter [tilespmem:s30], [sflag:$0x1], $0x80, v4, vm0, $0xb8;
	[tilespmem:$0x10100] =	vst v63  }
0xa7: {  	v3 =	vadd.s32 v1, v3  }
0xa8: {  	[hbm4b:s6+s3] =	stream.indirect_vreg.scatter [tilespmem:s31], [sflag:$0x1], $0x80, v4, vm0, $0xb8;
	[tilespmem:$0x10100] =	vst v63  }
0xa9: {  	_ = 	snop  }
0xaa: {  	[hbm4b:s7+s3] =	stream.indirect_vreg.scatter [tilespmem:s1], [sflag:$0x1], $0x80, v4, vm0, $0xb8;
	[tilespmem:$0x10100] =	vst v63  }
0xab: {  	_ = 	snop  }
0xac: {  	[hbm4b:s5+s3] =	stream.indirect_vreg.scatter [tilespmem:s16], [sflag:$0x1], $0x80, v3, vm0, $0xb8;
	[tilespmem:$0x10100] =	vst v63  }
0xad: {  	_ = 	snop  }
0xae: {  	[hbm4b:s6+s3] =	stream.indirect_vreg.scatter [tilespmem:s2], [sflag:$0x1], $0x80, v3, vm0, $0xb8;
	[tilespmem:$0x10100] =	vst v63  }
0xaf: {  	_ = 	snop  }
0xb0: {  	[hbm4b:s7+s3] =	stream.indirect_vreg.scatter [tilespmem:s4], [sflag:$0x1], $0x80, v3, vm0, $0xb8;
	[tilespmem:$0x10100] =	vst v63  }
0xb1: {  	v3 =	vld [tilespmem:$0xB0];
	_ =	sdelay $0x4  }
0xb2: {  	v63 =	vshrl.u32 v3, $0x3  }
0xb3: {  	v4 =	vmul.u32 $0x30, v63  }
0xb4: {  	v3 =	vand.u32 $0x7, v3  }
0xb5: {  	v3 =	vor.u32 v3, v4  }
0xb6: {  	v4 =	vperm.xlane v3, v0;
	_ =	sdelay $0x1  }
0xb7: {  	v4 =	vadd.s32 v1, v4;
	_ =	sdelay $0x3  }
0xb8: {  	v3 =	vperm.xlane v3, v2  }
0xb9: {  	[hbm4b:s5+s3] =	stream.indirect_vreg.scatter [tilespmem:s10], [sflag:$0x1], $0x80, v4, vm0, $0xb8;
	[tilespmem:$0x10100] =	vst v63  }
0xba: {  	v3 =	vadd.s32 v1, v3  }
0xbb: {  	[hbm4b:s6+s3] =	stream.indirect_vreg.scatter [tilespmem:s12], [sflag:$0x1], $0x80, v4, vm0, $0xb8;
	[tilespmem:$0x10100] =	vst v63  }
0xbc: {  	_ = 	snop  }
0xbd: {  	[hbm4b:s7+s3] =	stream.indirect_vreg.scatter [tilespmem:s14], [sflag:$0x1], $0x80, v4, vm0, $0xb8;
	[tilespmem:$0x10100] =	vst v63  }
0xbe: {  	_ = 	snop  }
0xbf: {  	[hbm4b:s5+s3] =	stream.indirect_vreg.scatter [tilespmem:s11], [sflag:$0x1], $0x80, v3, vm0, $0xb8;
	[tilespmem:$0x10100] =	vst v63  }
0xc0: {  	_ = 	snop  }
0xc1: {  	[hbm4b:s6+s3] =	stream.indirect_vreg.scatter [tilespmem:s17], [sflag:$0x1], $0x80, v3, vm0, $0xb8;
	[tilespmem:$0x10100] =	vst v63  }
0xc2: {  	_ = 	snop  }
0xc3: {  	[hbm4b:s7+s3] =	stream.indirect_vreg.scatter [tilespmem:s18], [sflag:$0x1], $0x80, v3, vm0, $0xb8;
	[tilespmem:$0x10100] =	vst v63  }
0xc4: {  	_ =	swait.ge [sflag:s13], $0xC000  }
0xc5: {  	[sflag:s13] =	ssyncset.done $0x0  }
0xc6: {  	[sflag:s13] =	ssyncadd.s32 $0xFFFF4000  }
0xc7: {  	s0 =	simm.s32 $0x40;
	s2 =	simm.s32 $0xC100;
	s15 =	rddreg [dreg:$0x2]  }
0xc8: {  	[hbm4b:s15+s0] =	stream.indirect.scatter [tilespmem:s2], [sflag:$0x1], $0x80, s3, s0, $0xb8;
	[tilespmem:$0x10100] =	vst v63  }
0xc9: {  	_ =	swait.ge [sflag:s13], $0x2000  }
0xca: {  	p0 =	sne.s32 s8, $0x1;
	s1 =	simm.s32 $0x80;
	[sflag:s13] =	ssyncset.done $0x0  }
.Ltmp0:
0xcb: {  	s2 =	simm.s32 $0xE100;
	[sflag:s13] =	ssyncadd.s32 $0xFFFFE000;
	(pc) =	sbr.rel @p0 .LBB2_1-.Ltmp0, $4  }
0xcc: {  	[hbm4b:s15+s0] =	stream.indirect.scatter [tilespmem:s2], [sflag:$0x1], $0x80, s1, s0, $0xb8;
	[tilespmem:$0x10100] =	vst v63  }
0xcd: {  	_ =	swait.ge [sflag:s13], $0x2000  }
0xce: {  	[sflag:s13] =	ssyncset.done $0x0  }
0xcf: {  	s8 =	sadd.s32 $0xFFFFFFFF, s8;
	[sflag:s13] =	ssyncadd.s32 $0xFFFFE000  }
0xd0: {  	_ =	sfence.sel $0x180000  }
0xd1: {  	[bflag:$0x0] =	sbarrier.arrive $0xFFFF  }
0xd2: {  	_ =	strace $0x90000047  }
0xd3: {  	s0 =	stileid.u32;
	[bflag:$0x2] =	sbarrier.arrive $0xFFFF  }
0xd4: {  	p0 =	sne.s32 s0, $0x0;
	s0 =	rddreg [dreg:$0x3]  }
0xd5: {  	s0 =	sadd.s32 @!p0 $0x100000, s0  }
0xd6: {  	[sflag:s0] =	ssyncadd.tile.s32 @!p0 $0x1;
	_ =	shalt  }
.Lfunc_end2:
_tile_overlayer_lowered:
.L_overlay_start_2:
0xd7: {  	(tag) =	ssettag $0x2  }
0xd8: {  	s0 =	rddreg [dreg:$0x0];
	s2 =	stileid.u32  }
0xd9: {  	s1 =	rddreg [dreg:$0x1];
	p0 =	sne.s32 s2, $0x0  }
0xda: {  	s3 =	rddreg [dreg:$0x2];
	[bflag:$0x3] =	sbarrier.arrive $0xFFFF;
	s2 =	simm.s32 @!p0 $0x1C02  }
0xdb: {  	[timem:s3], [sflag:s2] =	dma.local @!p0 [hbm:s0], s1  }
0xdc: {  	s0 =	simm.s32 @!p0 $0x2  }
0xdd: {  	_ =	swait.ge @!p0 [sflag:s0], s1  }
0xde: {  	s1 =	ssub.s32 @!p0 $0x0, s1;
	[sflag:s0] =	ssyncset.done @!p0 $0x0  }
0xdf: {  	[sflag:s0] =	ssyncadd.s32 @!p0 s1  }
0xe0: {  	[bflag:$0x3] =	sbarrier.arrive $0xFFFF  }
0xe1: {  	_ =	shalt  }

// kernel: kernel.9.cloned.1.call-start
scs
__scs_entry_jumppad:
0x0: {  	(pc) =	sbr.rel $0x88, $3  }
0x1: {  	(tag) =	ssettag $0x0;
	lr =	simm.s32 $0x1  }
0x2: {  	[smem:$0x3F9D] =	sst lr;
	_ =	strace $0xD0000000  }
0x3: {  	_ = 	snop  }
0x4: {  	_ = 	snop  }
0x5: {  	_ = 	snop  }
0x6: {  	_ = 	snop  }
0x7: {  	_ = 	snop  }
__scs_overlays_trampoline_lowered:
0x8: {  	[smem:$0x3FAC] =	sst s0  }
0x9: {  	[smem:$0x3FAD] =	sst s1  }
0xa: {  	[smem:$0x3FAE] =	sst s2  }
0xb: {  	[smem:$0x3FAF] =	sst s3  }
0xc: {  	[smem:$0x3FB0] =	sst s4  }
0xd: {  	[smem:$0x3FB1] =	sst s5  }
0xe: {  	[smem:$0x3FB2] =	sst s6  }
0xf: {  	[smem:$0x3FB3] =	sst s7  }
0x10: {  	[smem:$0x3FB4] =	sst s8  }
0x11: {  	[smem:$0x3FB5] =	sst s9;
	s0 =	simm.s32 @!p0 $0x0  }
0x12: {  	s1 =	sld [smem:$0x3F9B];
	s0 =	simm.s32 @p0 $0x1  }
0x13: {  	[smem:$0x3FB6] =	sst s0;
	s0 =	simm.s32 @!p1 $0x0  }
0x14: {  	s2 =	sld [smem:$0x3F9A];
	s0 =	simm.s32 @p1 $0x1  }
0x15: {  	[smem:$0x3FB7] =	sst s0;
	s0 =	simm.s32 @!p2 $0x0  }
0x16: {  	s3 =	sld [smem:$0x3FDB];
	s0 =	simm.s32 @p2 $0x1  }
0x17: {  	s4 =	simm.s32 $0x1BF5;
	[smem:$0x3FB9] =	sst s0  }
0x18: {  	s0 =	sld [smem:$0x3F9C];
	_ =	swait.ge [sflag:s4], $0x0  }
0x19: {  	s7 =	sld [smem:$0x3F9D]  }
0x1a: {  	s8 =	sadd.s32 $0xFFFFE003, lr  }
0x1b: {  	s9 =	sadd.s32 $0xFFFFFEF7, lr;
	s5 =	simm.s32 $0xFFFFFFFF;
	p2 =	slt.u32 s8, $0xFFFFF086  }
0x1c: {  	p1 =	slt.u32 s9, $0xF7A;
	s5 =	simm.s32 @!p2 $0x0  }
0x1d: {  	s5 =	simm.s32 @p1 $0x1;
	p0 =	seq.s32 s7, s2  }
0x1e: {  	s7 =	smul.u32 @!p0 $0xF7A, s2;
	p2 =	seq.s32 @!p0 s5, $0x0  }
0x1f: {  	s9 =	smul.u32 $0xF7A, s1;
	s8 =	simm.s32 @!p0 $0x1BF5;
	p2 =	por !p2, p0  }
0x20: {  	[sflag:s8] =	ssyncset.s32 @!p0 $0xFFFFF086;
	s6 =	sadd.s32 @!p0 s3, s7;
	s7 =	simm.s32 @!p0 $0x108  }
0x21: {  	s3 =	sadd.s32 s3, s9;
	s6 =	sadd.s32 @!p0 $0x88, s6;
	s7 =	simm.s32 @p2 $0x1082  }
0x22: {  	[simem:s7], [sflag:s8] =	dma.local @!p0 [hbm:s6], $0xF7A  }
0x23: {  	s9 =	sor.u32 $0xD0000000, s2;
	s6 =	simm.s32 $0x108;
	_ =	swait.ge @!p0 [sflag:s8], $0x0  }
0x24: {  	s3 =	sadd.s32 $0x88, s3;
	s6 =	simm.s32 @!p1 $0x1082;
	[sflag:s4] =	ssyncset.s32 $0xFFFFF086  }
0x25: {  	[simem:s6], [sflag:s4] =	dma.local [hbm:s3], $0xF7A  }
0x26: {  	[smem:$0x3F9D] =	sst s1;
	(tag) =	ssettag s2;
	_ =	strace s9  }
0x27: {  	s1 =	sld [smem:$0x3FAD]  }
0x28: {  	s2 =	sld [smem:$0x3FAE]  }
0x29: {  	s4 =	sld [smem:$0x3FB0]  }
0x2a: {  	p0 =	seq.s32 s5, $0x0;
	s5 =	sld [smem:$0x3FB1]  }
0x2b: {  	s6 =	sld [smem:$0x3FB2]  }
0x2c: {  	s7 =	sld [smem:$0x3FB3]  }
0x2d: {  	s3 =	simm.s32 $0x108;
	s8 =	sld [smem:$0x3FB4]  }
0x2e: {  	s3 =	simm.s32 @!p0 $0x1082;
	s9 =	sld [smem:$0x3FB5]  }
0x2f: {  	lr =	sadd.s32 s0, s3;
	s0 =	sld [smem:$0x3FAC]  }
0x30: {  	s3 =	sld [smem:$0x3FAF]  }
0x31: {  	[smem:$0x3FB8] =	sst s10  }
0x32: {  	s10 =	sld [smem:$0x3FB6];
	_ =	sdelay $0x3  }
0x33: {  	p0 =	seq.s32 s10, $0x1;
	s10 =	sld [smem:$0x3FB8];
	_ =	sdelay $0x3  }
0x34: {  	[smem:$0x3FB8] =	sst s10  }
0x35: {  	s10 =	sld [smem:$0x3FB7];
	_ =	sdelay $0x3  }
0x36: {  	p1 =	seq.s32 s10, $0x1;
	s10 =	sld [smem:$0x3FB8];
	_ =	sdelay $0x3  }
0x37: {  	[smem:$0x3FB8] =	sst s10  }
0x38: {  	s10 =	sld [smem:$0x3FB9]  }
0x39: {  	_ = 	snop;
	(pc) =	sbr.ind lr, $3  }
0x3a: {  	_ = 	snop  }
0x3b: {  	_ = 	snop  }
0x3c: {  	p2 =	seq.s32 s10, $0x1;
	s10 =	sld [smem:$0x3FB8]  }
0x3d: {  	_ =	shalt  }
0x3e: {  	_ =	shalt  }
0x3f: {  	_ =	shalt  }
0x40: {  	_ =	shalt  }
0x41: {  	_ =	shalt  }
0x42: {  	_ =	shalt  }
0x43: {  	_ =	shalt  }
0x44: {  	_ =	shalt  }
0x45: {  	_ =	shalt  }
0x46: {  	_ =	shalt  }
0x47: {  	_ =	shalt  }
0x48: {  	_ =	shalt  }
0x49: {  	_ =	shalt  }
0x4a: {  	_ =	shalt  }
0x4b: {  	_ =	shalt  }
0x4c: {  	_ =	shalt  }
0x4d: {  	_ =	shalt  }
0x4e: {  	_ =	shalt  }
0x4f: {  	_ =	shalt  }
0x50: {  	_ =	shalt  }
0x51: {  	_ =	shalt  }
0x52: {  	_ =	shalt  }
0x53: {  	_ =	shalt  }
0x54: {  	_ =	shalt  }
0x55: {  	_ =	shalt  }
0x56: {  	_ =	shalt  }
0x57: {  	_ =	shalt  }
0x58: {  	_ =	shalt  }
0x59: {  	_ =	shalt  }
0x5a: {  	_ =	shalt  }
0x5b: {  	_ =	shalt  }
0x5c: {  	_ =	shalt  }
0x5d: {  	_ =	shalt  }
0x5e: {  	_ =	shalt  }
0x5f: {  	_ =	shalt  }
0x60: {  	_ =	shalt  }
0x61: {  	_ =	shalt  }
0x62: {  	_ =	shalt  }
0x63: {  	_ =	shalt  }
0x64: {  	_ =	shalt  }
0x65: {  	_ =	shalt  }
0x66: {  	_ =	shalt  }
0x67: {  	_ =	shalt  }
0x68: {  	_ =	shalt  }
0x69: {  	_ =	shalt  }
0x6a: {  	_ =	shalt  }
0x6b: {  	_ =	shalt  }
0x6c: {  	_ =	shalt  }
0x6d: {  	_ =	shalt  }
0x6e: {  	_ =	shalt  }
0x6f: {  	_ =	shalt  }
0x70: {  	_ =	shalt  }
0x71: {  	_ =	shalt  }
0x72: {  	_ =	shalt  }
0x73: {  	_ =	shalt  }
0x74: {  	_ =	shalt  }
0x75: {  	_ =	shalt  }
0x76: {  	_ =	shalt  }
0x77: {  	_ =	shalt  }
0x78: {  	_ =	shalt  }
0x79: {  	_ =	shalt  }
0x7a: {  	_ =	shalt  }
0x7b: {  	_ =	shalt  }
0x7c: {  	_ =	shalt  }
0x7d: {  	_ =	shalt  }
0x7e: {  	_ =	shalt  }
0x7f: {  	_ =	shalt  }
0x80: {  	_ =	shalt  }
0x81: {  	_ =	shalt  }
0x82: {  	_ =	shalt  }
0x83: {  	_ =	shalt  }
0x84: {  	_ =	shalt  }
0x85: {  	_ =	shalt  }
0x86: {  	_ =	shalt  }
0x87: {  	_ =	shalt  }
.Lfunc_end0:
.L_simem_size_0:
called_computation.1_lowered:
.L_overlay_start_0:
0x88: {  	s2 =	sld [smem:$0x3FD9]  }
0x89: {  	s3 =	sld [smem:$0x3FFE];
	_ =	sdelay $0x1  }
0x8a: {  	s1 =	srdreg.scid  }
0x8b: {  	s0 =	sand.u32 $0x1, s1  }
0x8c: {  	s17 =	sshll.u32 s0, $0xA;
	s2 =	sadd.s32 s3, s2  }
0x8d: {  	s2 =	sadd.s32 s2, s17  }
0x8e: {  	[smem:$0x3FC4] =	sst s2  }
0x8f: {  	_ = 	snop  }
0x90: {  	s2 =	sld [smem:$0x3FD0];
	(tm) =	ssettm $0x1  }
0x91: {  	s18 =	sld [smem:$0x3FFB];
	_ =	sdelay $0x3  }
0x92: {  	_ =	strace s18  }
0x93: {  	s3 =	sld [smem:$0x3FFC];
	_ =	sdelay $0x3  }
0x94: {  	_ =	strace s3  }
0x95: {  	s3 =	sld [smem:$0x3FFD];
	_ =	sdelay $0x3  }
0x96: {  	_ =	strace s3  }
0x97: {  	_ =	strace $0x8FFFFFFF  }
0x98: {  	s19 =	sld [smem:$0x3FDB];
	_ =	sdelay $0x1  }
0x99: {  	s4 =	simm.s32 $_scs_section_size  }
0x9a: {  	s5 =	simm.s32 $_size__tile_overlayer_lowered;
	s6 =	simm.s32 $_tile_overlayer_lowered  }
0x9b: {  	s22 =	simm.s32 $0x1BFF;
	s21 =	sshll.u32 s6, $0x1;
	s3 =	sadd.s32 s4, s19  }
0x9c: {  	s7 =	simm.s32 $0x0;
	s20 =	sshll.u32 s5, $0x1;
	s5 =	sadd.s32 s21, s3  }
0x9d: {  	[timem:s7], [sflag:s22] =	dma.local [hbm:s5], s20  }
0x9e: {  	_ =	swait.ge [sflag:s22], s20  }
0x9f: {  	s4 =	ssub.s32 $0x0, s20;
	[sflag:s22] =	ssyncset.done $0x0  }
0xa0: {  	[sflag:s22] =	ssyncadd.s32 s4;
	_ =	sdelay $0x1  }
0xa1: {  	s23 =	simm.s32 $0x1B8B  }
0xa2: {  	_ =	swait.ge [sflag:s23], $0x1  }
0xa3: {  	[sflag:s23] =	ssyncset.done $0x0  }
0xa4: {  	s25 =	simm.s32 $0x1B8E;
	s24 =	sld [smem:$0x3FFE];
	[sflag:s23] =	ssyncadd.s32 $0xFFFFFFFF  }
0xa5: {  	s26 =	simm.s32 $execute0_lowered;
	[smem:$0x3FD2] =	sst s25  }
0xa6: {  	s5 =	sshll.u32 s26, $0x1;
	_ =	strace $0x80000049;
	[dreg:$0x1] =	wrdreg $0xFFFFFFFF  }
0xa7: {  	s28 =	simm.s32 $_size_execute0_lowered;
	s3 =	sadd.s32 s3, s5;
	[dreg:$0x0] =	wrdreg $0x0  }
0xa8: {  	s5 =	sshll.u32 s28, $0x1;
	[dreg:$0x2] =	wrdreg s3  }
0xa9: {  	[dreg:$0x3] =	wrdreg s5  }
0xaa: {  	[dreg:$0x4] =	wrdreg $0xC0  }
0xab: {  	_ =	task [dreg:s7], $0x5FFFF  }
0xac: {  	[dreg:$0x1] =	wrdreg $0xFFFFFFFF  }
0xad: {  	[dreg:$0x0] =	wrdreg $0x60  }
0xae: {  	[dreg:$0x2] =	wrdreg s24  }
0xaf: {  	[dreg:$0x3] =	wrdreg s2  }
0xb0: {  	[dreg:$0x4] =	wrdreg $0x9  }
0xb1: {  	_ =	task.clear_ibuf [dreg:s7], $0x5FFFF;
	_ =	strace $0x90000049  }
0xb2: {  	s29 =	simm.s32 $0x9;
	_ =	strace $0x8000004B  }
0xb3: {  	_ =	swait.ge [sflag:s29], $0x1  }
0xb4: {  	[sflag:s29] =	ssyncadd.s32 $0xFFFFFFFF  }
0xb5: {  	_ =	strace $0x9000004B  }
0xb6: {  	_ =	sfence  }
0xb7: {  	s30 =	sld [smem:$0x0];
	_ =	sdelay $0x2  }
0xb8: {  	s31 =	sshll.u32 s1, $0xD;
	s1 =	sshrl.u32 s1, $0x2  }
0xb9: {  	s3 =	sand.u32 $0x4000, s31;
	s1 =	sadd.s32 s1, s30  }
0xba: {  	s0 =	sor.u32 s3, s0;
	s1 =	sshll.u32 s1, $0x11  }
0xbb: {  	s0 =	sor.u32 s1, s0  }
0xbc: {  	s0 =	sadd.s32 $0x8F2B, s0  }
0xbd: {  	[sflag:s0] =	ssyncadd.remote.s32 $0x1  }
0xbe: {  	_ =	sfence.sel $0xFFFF  }
0xbf: {  	[dreg:$0x0] =	wrdreg $0xFFFFFFFF;
	(pc) =	sbr.abs _section_cstart, $3  }
0xc0: {  	[dreg:$0x1] =	wrdreg $0xFFFFFFFF  }
0xc1: {  	_ =	task.clear_ibuf [dreg:s7], $0x2FFFF;
	_ =	strace $0x9FFFFFFF  }
0xc2: {  	(tm) =	ssettm $0x7FFFFFFF  }
0xc3: {  	_ =	shalt  }
tec
execute0_lowered:
.L_overlay_start_1:
0x0: {  	(tag) =	ssettag $0x1  }
0x1: {  	s0 =	rddreg [dreg:$0x0]  }
0x2: {  	s1 =	rddreg [dreg:$0x1];
	s3 =	srdreg.scid  }
0x3: {  	s2 =	simm.s32 $0x0;
	s5 =	stileid.u32;
	s12 =	simm.s32 $0x80  }
0x4: {  	s30 =	simm.s32 $0x13080;
	s31 =	simm.s32 $0x13880;
	s11 =	simm.s32 $0x15080  }
0x5: {  	s13 =	simm.s32 $0x15880;
	s14 =	simm.s32 $0x16080;
	s15 =	simm.s32 $0x16880  }
0x6: {  	s16 =	simm.s32 $0x17080;
	s17 =	simm.s32 $0x17880;
	s18 =	simm.s32 $0x1  }
0x7: {  	s19 =	simm.s32 $0x0;
	s4 =	sand.u32 $0x1, s3;
	[smem:$0x7FF] =	sst s2  }
0x8: {  	s28 =	sshll.u32 s5, $0x4;
	s3 =	sadd.s32 $0x130400, s0;
	s29 =	sshll.u32 s4, $0x3  }
0x9: {  	_ =	strace $0x8000004A;
	s7 =	ssub.s32 $0x2, s4;
	s6 =	sor.u32 s29, s28  }
0xa: {  	s8 =	sshrl.u32 s7, $0x1;
	s4 =	sadd.s32 s0, s6;
	s9 =	smul.u32 $0x300, s6  }
0xb: {  	v2 =	vlaneseq.u32;
	s10 =	ssub.s32 s7, s8;
	s6 =	sadd.s32 $0x130500, s0;
	s7 =	sadd.s32 $0x130600, s0  }
0xc: {  	vm0 =	vmmov $0xffff;
	v1 =	vshrl.u32 v2, $0x3;
	s0 =	simm.s32 $0x14080;
	s5 =	sadd.s32 $0x200, s4;
	s8 =	sadd.s32 s1, s9  }
0xd: {  	v0 =	vand.u32 $0x7, v2;
	v2 =	vor.u32 $0x8, v2;
	v1 =	vmul.u32 $0x8, v1;
	s9 =	smax.u32 s10, $0x1;
	s10 =	simm.s32 $0x2;
	s1 =	simm.s32 $0x14880  }
.LBB2_1:
0xe: {  	[tilespmem:s2], [sflag:$0x2] =	stream.linear.gather [hbm4b:s5+s2], $0x40, $0x38;
	[tilespmem:$0x18080] =	vst v63  }
0xf: {  	_ =	swait.ge [sflag:s10], $0x40  }
0x10: {  	[sflag:s10] =	ssyncset.done $0x0  }
0x11: {  	s20 =	simm.s32 $0x40;
	[sflag:s10] =	ssyncadd.s32 $0xFFFFFFC0  }
0x12: {  	[tilespmem:s20], [sflag:$0x2] =	stream.linear.gather [hbm4b:s4+s2], $0x40, $0x38;
	[tilespmem:$0x18080] =	vst v63  }
0x13: {  	_ =	swait.ge [sflag:s10], $0x40  }
0x14: {  	[sflag:s10] =	ssyncset.done $0x0  }
0x15: {  	[sflag:s10] =	ssyncadd.s32 $0xFFFFFFC0  }
0x16: {  	v3 =	vld [tilespmem:$0x0];
	_ =	sdelay $0x4  }
0x17: {  	v4 =	vshrl.u32 v3, $0x3  }
0x18: {  	v4 =	vmul.u32 $0x30, v4  }
0x19: {  	v3 =	vand.u32 $0x7, v3  }
0x1a: {  	v3 =	vor.u32 v3, v4  }
0x1b: {  	v4 =	vperm.xlane v3, v0;
	_ =	sdelay $0x1  }
0x1c: {  	v4 =	vadd.s32 v1, v4;
	_ =	sdelay $0x3  }
0x1d: {  	v3 =	vperm.xlane v3, v2  }
0x1e: {  	[tilespmem:s12], [sflag:$0x1] =	stream.indirect_vreg.gather [hbm4b:s3+s2], $0x80, v4, vm0, $0xb8;
	[tilespmem:$0x18080] =	vst v63  }
0x1f: {  	s24 =	simm.s32 $0x880;
	v3 =	vadd.s32 v1, v3  }
0x20: {  	[tilespmem:s24], [sflag:$0x1] =	stream.indirect_vreg.gather [hbm4b:s6+s2], $0x80, v4, vm0, $0xb8;
	[tilespmem:$0x18080] =	vst v63  }
0x21: {  	s25 =	simm.s32 $0x1080  }
0x22: {  	[tilespmem:s25], [sflag:$0x1] =	stream.indirect_vreg.gather [hbm4b:s7+s2], $0x80, v4, vm0, $0xb8;
	[tilespmem:$0x18080] =	vst v63  }
0x23: {  	s26 =	simm.s32 $0x1880  }
0x24: {  	[tilespmem:s26], [sflag:$0x1] =	stream.indirect_vreg.gather [hbm4b:s3+s2], $0x80, v3, vm0, $0xb8;
	[tilespmem:$0x18080] =	vst v63  }
0x25: {  	s28 =	simm.s32 $0x2080  }
0x26: {  	[tilespmem:s28], [sflag:$0x1] =	stream.indirect_vreg.gather [hbm4b:s6+s2], $0x80, v3, vm0, $0xb8;
	[tilespmem:$0x18080] =	vst v63  }
0x27: {  	s29 =	simm.s32 $0x2880  }
0x28: {  	[tilespmem:s29], [sflag:$0x1] =	stream.indirect_vreg.gather [hbm4b:s7+s2], $0x80, v3, vm0, $0xb8;
	[tilespmem:$0x18080] =	vst v63  }
0x29: {  	v3 =	vld [tilespmem:$0x10];
	_ =	sdelay $0x4  }
0x2a: {  	v57 =	vshrl.u32 v3, $0x3  }
0x2b: {  	v4 =	vmul.u32 $0x30, v57  }
0x2c: {  	v3 =	vand.u32 $0x7, v3  }
0x2d: {  	v3 =	vor.u32 v3, v4  }
0x2e: {  	v4 =	vperm.xlane v3, v0;
	_ =	sdelay $0x1  }
0x2f: {  	v4 =	vadd.s32 v1, v4;
	_ =	sdelay $0x3  }
0x30: {  	s21 =	simm.s32 $0x3080;
	v3 =	vperm.xlane v3, v2  }
0x31: {  	[tilespmem:s21], [sflag:$0x1] =	stream.indirect_vreg.gather [hbm4b:s3+s2], $0x80, v4, vm0, $0xb8;
	[tilespmem:$0x18080] =	vst v63  }
0x32: {  	s22 =	simm.s32 $0x3880;
	v3 =	vadd.s32 v1, v3  }
0x33: {  	[tilespmem:s22], [sflag:$0x1] =	stream.indirect_vreg.gather [hbm4b:s6+s2], $0x80, v4, vm0, $0xb8;
	[tilespmem:$0x18080] =	vst v63  }
0x34: {  	s23 =	simm.s32 $0x4080  }
0x35: {  	[tilespmem:s23], [sflag:$0x1] =	stream.indirect_vreg.gather [hbm4b:s7+s2], $0x80, v4, vm0, $0xb8;
	[tilespmem:$0x18080] =	vst v63  }
0x36: {  	s24 =	simm.s32 $0x4880  }
0x37: {  	[tilespmem:s24], [sflag:$0x1] =	stream.indirect_vreg.gather [hbm4b:s3+s2], $0x80, v3, vm0, $0xb8;
	[tilespmem:$0x18080] =	vst v63  }
0x38: {  	s25 =	simm.s32 $0x5080  }
0x39: {  	[tilespmem:s25], [sflag:$0x1] =	stream.indirect_vreg.gather [hbm4b:s6+s2], $0x80, v3, vm0, $0xb8;
	[tilespmem:$0x18080] =	vst v63  }
0x3a: {  	s26 =	simm.s32 $0x5880  }
0x3b: {  	[tilespmem:s26], [sflag:$0x1] =	stream.indirect_vreg.gather [hbm4b:s7+s2], $0x80, v3, vm0, $0xb8;
	[tilespmem:$0x18080] =	vst v63  }
0x3c: {  	v3 =	vld [tilespmem:$0x20];
	_ =	sdelay $0x4  }
0x3d: {  	v58 =	vshrl.u32 v3, $0x3  }
0x3e: {  	v4 =	vmul.u32 $0x30, v58  }
0x3f: {  	v3 =	vand.u32 $0x7, v3  }
0x40: {  	v3 =	vor.u32 v3, v4  }
0x41: {  	v4 =	vperm.xlane v3, v0;
	_ =	sdelay $0x1  }
0x42: {  	v4 =	vadd.s32 v1, v4;
	_ =	sdelay $0x3  }
0x43: {  	s28 =	simm.s32 $0x6080;
	v3 =	vperm.xlane v3, v2  }
0x44: {  	[tilespmem:s28], [sflag:$0x1] =	stream.indirect_vreg.gather [hbm4b:s3+s2], $0x80, v4, vm0, $0xb8;
	[tilespmem:$0x18080] =	vst v63  }
0x45: {  	s29 =	simm.s32 $0x6880;
	v3 =	vadd.s32 v1, v3  }
0x46: {  	[tilespmem:s29], [sflag:$0x1] =	stream.indirect_vreg.gather [hbm4b:s6+s2], $0x80, v4, vm0, $0xb8;
	[tilespmem:$0x18080] =	vst v63  }
0x47: {  	s21 =	simm.s32 $0x7080  }
0x48: {  	[tilespmem:s21], [sflag:$0x1] =	stream.indirect_vreg.gather [hbm4b:s7+s2], $0x80, v4, vm0, $0xb8;
	[tilespmem:$0x18080] =	vst v63  }
0x49: {  	s22 =	simm.s32 $0x7880  }
0x4a: {  	[tilespmem:s22], [sflag:$0x1] =	stream.indirect_vreg.gather [hbm4b:s3+s2], $0x80, v3, vm0, $0xb8;
	[tilespmem:$0x18080] =	vst v63  }
0x4b: {  	s23 =	simm.s32 $0x8080  }
0x4c: {  	[tilespmem:s23], [sflag:$0x1] =	stream.indirect_vreg.gather [hbm4b:s6+s2], $0x80, v3, vm0, $0xb8;
	[tilespmem:$0x18080] =	vst v63  }
0x4d: {  	s24 =	simm.s32 $0x8880  }
0x4e: {  	[tilespmem:s24], [sflag:$0x1] =	stream.indirect_vreg.gather [hbm4b:s7+s2], $0x80, v3, vm0, $0xb8;
	[tilespmem:$0x18080] =	vst v63  }
0x4f: {  	v3 =	vld [tilespmem:$0x30];
	_ =	sdelay $0x4  }
0x50: {  	v59 =	vshrl.u32 v3, $0x3  }
0x51: {  	v4 =	vmul.u32 $0x30, v59  }
0x52: {  	v3 =	vand.u32 $0x7, v3  }
0x53: {  	v3 =	vor.u32 v3, v4  }
0x54: {  	v4 =	vperm.xlane v3, v0;
	_ =	sdelay $0x1  }
0x55: {  	v4 =	vadd.s32 v1, v4;
	_ =	sdelay $0x3  }
0x56: {  	s25 =	simm.s32 $0x9080;
	v3 =	vperm.xlane v3, v2  }
0x57: {  	[tilespmem:s25], [sflag:$0x1] =	stream.indirect_vreg.gather [hbm4b:s3+s2], $0x80, v4, vm0, $0xb8;
	[tilespmem:$0x18080] =	vst v63  }
0x58: {  	s26 =	simm.s32 $0x9880;
	v3 =	vadd.s32 v1, v3  }
0x59: {  	[tilespmem:s26], [sflag:$0x1] =	stream.indirect_vreg.gather [hbm4b:s6+s2], $0x80, v4, vm0, $0xb8;
	[tilespmem:$0x18080] =	vst v63  }
0x5a: {  	s28 =	simm.s32 $0xA080  }
0x5b: {  	[tilespmem:s28], [sflag:$0x1] =	stream.indirect_vreg.gather [hbm4b:s7+s2], $0x80, v4, vm0, $0xb8;
	[tilespmem:$0x18080] =	vst v63  }
0x5c: {  	s29 =	simm.s32 $0xA880  }
0x5d: {  	[tilespmem:s29], [sflag:$0x1] =	stream.indirect_vreg.gather [hbm4b:s3+s2], $0x80, v3, vm0, $0xb8;
	[tilespmem:$0x18080] =	vst v63  }
0x5e: {  	s21 =	simm.s32 $0xB080  }
0x5f: {  	[tilespmem:s21], [sflag:$0x1] =	stream.indirect_vreg.gather [hbm4b:s6+s2], $0x80, v3, vm0, $0xb8;
	[tilespmem:$0x18080] =	vst v63  }
0x60: {  	s22 =	simm.s32 $0xB880  }
0x61: {  	[tilespmem:s22], [sflag:$0x1] =	stream.indirect_vreg.gather [hbm4b:s7+s2], $0x80, v3, vm0, $0xb8;
	[tilespmem:$0x18080] =	vst v63  }
0x62: {  	v3 =	vld [tilespmem:$0x40];
	_ =	sdelay $0x4  }
0x63: {  	v60 =	vshrl.u32 v3, $0x3  }
0x64: {  	v4 =	vmul.u32 $0x30, v60  }
0x65: {  	v3 =	vand.u32 $0x7, v3  }
0x66: {  	v3 =	vor.u32 v3, v4  }
0x67: {  	v4 =	vperm.xlane v3, v0;
	_ =	sdelay $0x1  }
0x68: {  	v4 =	vadd.s32 v1, v4;
	_ =	sdelay $0x3  }
0x69: {  	s23 =	simm.s32 $0xC080;
	v3 =	vperm.xlane v3, v2  }
0x6a: {  	[tilespmem:s23], [sflag:$0x1] =	stream.indirect_vreg.gather [hbm4b:s3+s2], $0x80, v4, vm0, $0xb8;
	[tilespmem:$0x18080] =	vst v63  }
0x6b: {  	s24 =	simm.s32 $0xC880;
	v3 =	vadd.s32 v1, v3  }
0x6c: {  	[tilespmem:s24], [sflag:$0x1] =	stream.indirect_vreg.gather [hbm4b:s6+s2], $0x80, v4, vm0, $0xb8;
	[tilespmem:$0x18080] =	vst v63  }
0x6d: {  	s25 =	simm.s32 $0xD080  }
0x6e: {  	[tilespmem:s25], [sflag:$0x1] =	stream.indirect_vreg.gather [hbm4b:s7+s2], $0x80, v4, vm0, $0xb8;
	[tilespmem:$0x18080] =	vst v63  }
0x6f: {  	s26 =	simm.s32 $0xD880  }
0x70: {  	[tilespmem:s26], [sflag:$0x1] =	stream.indirect_vreg.gather [hbm4b:s3+s2], $0x80, v3, vm0, $0xb8;
	[tilespmem:$0x18080] =	vst v63  }
0x71: {  	s28 =	simm.s32 $0xE080  }
0x72: {  	[tilespmem:s28], [sflag:$0x1] =	stream.indirect_vreg.gather [hbm4b:s6+s2], $0x80, v3, vm0, $0xb8;
	[tilespmem:$0x18080] =	vst v63  }
0x73: {  	s29 =	simm.s32 $0xE880  }
0x74: {  	[tilespmem:s29], [sflag:$0x1] =	stream.indirect_vreg.gather [hbm4b:s7+s2], $0x80, v3, vm0, $0xb8;
	[tilespmem:$0x18080] =	vst v63  }
0x75: {  	v3 =	vld [tilespmem:$0x50];
	_ =	sdelay $0x4  }
0x76: {  	v61 =	vshrl.u32 v3, $0x3  }
0x77: {  	v4 =	vmul.u32 $0x30, v61  }
0x78: {  	v3 =	vand.u32 $0x7, v3  }
0x79: {  	v3 =	vor.u32 v3, v4  }
0x7a: {  	v4 =	vperm.xlane v3, v0;
	_ =	sdelay $0x1  }
0x7b: {  	v4 =	vadd.s32 v1, v4;
	_ =	sdelay $0x3  }
0x7c: {  	s21 =	simm.s32 $0xF080;
	v3 =	vperm.xlane v3, v2  }
0x7d: {  	[tilespmem:s21], [sflag:$0x1] =	stream.indirect_vreg.gather [hbm4b:s3+s2], $0x80, v4, vm0, $0xb8;
	[tilespmem:$0x18080] =	vst v63  }
0x7e: {  	s22 =	simm.s32 $0xF880;
	v3 =	vadd.s32 v1, v3  }
0x7f: {  	[tilespmem:s22], [sflag:$0x1] =	stream.indirect_vreg.gather [hbm4b:s6+s2], $0x80, v4, vm0, $0xb8;
	[tilespmem:$0x18080] =	vst v63  }
0x80: {  	s23 =	simm.s32 $0x10080  }
0x81: {  	[tilespmem:s23], [sflag:$0x1] =	stream.indirect_vreg.gather [hbm4b:s7+s2], $0x80, v4, vm0, $0xb8;
	[tilespmem:$0x18080] =	vst v63  }
0x82: {  	s24 =	simm.s32 $0x10880  }
0x83: {  	[tilespmem:s24], [sflag:$0x1] =	stream.indirect_vreg.gather [hbm4b:s3+s2], $0x80, v3, vm0, $0xb8;
	[tilespmem:$0x18080] =	vst v63  }
0x84: {  	s25 =	simm.s32 $0x11080  }
0x85: {  	[tilespmem:s25], [sflag:$0x1] =	stream.indirect_vreg.gather [hbm4b:s6+s2], $0x80, v3, vm0, $0xb8;
	[tilespmem:$0x18080] =	vst v63  }
0x86: {  	s26 =	simm.s32 $0x11880  }
0x87: {  	[tilespmem:s26], [sflag:$0x1] =	stream.indirect_vreg.gather [hbm4b:s7+s2], $0x80, v3, vm0, $0xb8;
	[tilespmem:$0x18080] =	vst v63  }
0x88: {  	v3 =	vld [tilespmem:$0x60];
	_ =	sdelay $0x4  }
0x89: {  	v62 =	vshrl.u32 v3, $0x3  }
0x8a: {  	v4 =	vmul.u32 $0x30, v62  }
0x8b: {  	v3 =	vand.u32 $0x7, v3  }
0x8c: {  	v3 =	vor.u32 v3, v4  }
0x8d: {  	v4 =	vperm.xlane v3, v0;
	_ =	sdelay $0x1  }
0x8e: {  	v4 =	vadd.s32 v1, v4;
	_ =	sdelay $0x3  }
0x8f: {  	s28 =	simm.s32 $0x12080;
	v3 =	vperm.xlane v3, v2  }
0x90: {  	[tilespmem:s28], [sflag:$0x1] =	stream.indirect_vreg.gather [hbm4b:s3+s2], $0x80, v4, vm0, $0xb8;
	[tilespmem:$0x18080] =	vst v63  }
0x91: {  	s29 =	simm.s32 $0x12880;
	v3 =	vadd.s32 v1, v3  }
0x92: {  	[tilespmem:s29], [sflag:$0x1] =	stream.indirect_vreg.gather [hbm4b:s6+s2], $0x80, v4, vm0, $0xb8;
	[tilespmem:$0x18080] =	vst v63  }
0x93: {  	_ = 	snop  }
0x94: {  	[tilespmem:s30], [sflag:$0x1] =	stream.indirect_vreg.gather [hbm4b:s7+s2], $0x80, v4, vm0, $0xb8;
	[tilespmem:$0x18080] =	vst v63  }
0x95: {  	_ = 	snop  }
0x96: {  	[tilespmem:s31], [sflag:$0x1] =	stream.indirect_vreg.gather [hbm4b:s3+s2], $0x80, v3, vm0, $0xb8;
	[tilespmem:$0x18080] =	vst v63  }
0x97: {  	_ = 	snop  }
0x98: {  	[tilespmem:s0], [sflag:$0x1] =	stream.indirect_vreg.gather [hbm4b:s6+s2], $0x80, v3, vm0, $0xb8;
	[tilespmem:$0x18080] =	vst v63  }
0x99: {  	_ = 	snop  }
0x9a: {  	[tilespmem:s1], [sflag:$0x1] =	stream.indirect_vreg.gather [hbm4b:s7+s2], $0x80, v3, vm0, $0xb8;
	[tilespmem:$0x18080] =	vst v63  }
0x9b: {  	v3 =	vld [tilespmem:$0x70];
	_ =	sdelay $0x4  }
0x9c: {  	v63 =	vshrl.u32 v3, $0x3  }
0x9d: {  	v4 =	vmul.u32 $0x30, v63  }
0x9e: {  	v3 =	vand.u32 $0x7, v3  }
0x9f: {  	v3 =	vor.u32 v3, v4  }
0xa0: {  	v4 =	vperm.xlane v3, v0;
	_ =	sdelay $0x1  }
0xa1: {  	v4 =	vadd.s32 v1, v4;
	_ =	sdelay $0x3  }
0xa2: {  	v3 =	vperm.xlane v3, v2  }
0xa3: {  	[tilespmem:s11], [sflag:$0x1] =	stream.indirect_vreg.gather [hbm4b:s3+s2], $0x80, v4, vm0, $0xb8;
	[tilespmem:$0x18080] =	vst v63  }
0xa4: {  	v3 =	vadd.s32 v1, v3  }
0xa5: {  	[tilespmem:s13], [sflag:$0x1] =	stream.indirect_vreg.gather [hbm4b:s6+s2], $0x80, v4, vm0, $0xb8;
	[tilespmem:$0x18080] =	vst v63  }
0xa6: {  	_ = 	snop  }
0xa7: {  	[tilespmem:s14], [sflag:$0x1] =	stream.indirect_vreg.gather [hbm4b:s7+s2], $0x80, v4, vm0, $0xb8;
	[tilespmem:$0x18080] =	vst v63  }
0xa8: {  	_ = 	snop  }
0xa9: {  	[tilespmem:s15], [sflag:$0x1] =	stream.indirect_vreg.gather [hbm4b:s3+s2], $0x80, v3, vm0, $0xb8;
	[tilespmem:$0x18080] =	vst v63  }
0xaa: {  	_ = 	snop  }
0xab: {  	[tilespmem:s16], [sflag:$0x1] =	stream.indirect_vreg.gather [hbm4b:s6+s2], $0x80, v3, vm0, $0xb8;
	[tilespmem:$0x18080] =	vst v63  }
0xac: {  	_ = 	snop  }
0xad: {  	[tilespmem:s17], [sflag:$0x1] =	stream.indirect_vreg.gather [hbm4b:s7+s2], $0x80, v3, vm0, $0xb8;
	[tilespmem:$0x18080] =	vst v63  }
0xae: {  	_ =	swait.ge [sflag:s18], $0x18000  }
0xaf: {  	[sflag:s18] =	ssyncset.done $0x0  }
0xb0: {  	s20 =	simm.s32 $0x0;
	[sflag:s18] =	ssyncadd.s32 $0xFFFE8000  }
.LBB2_2:
0xb1: {  	s21 =	sshrl.u32 s20, $0x3  }
0xb2: {  	s21 =	smul.u32 $0x6000, s21  }
0xb3: {  	s22 =	sshll.u32 s20, $0x7  }
0xb4: {  	s22 =	sand.u32 $0x380, s22;
	s21 =	sshra.s32 s21, $0x2  }
0xb5: {  	s23 =	simm.s32 $0x0;
	s22 =	sor.u32 s22, s21  }
0xb6: {  	s24 =	sand.u32 $0x1C00, s23;
	s21 =	sadd.s32 $0xC080, s22  }
0xb7: {  	s23 =	sand.u32 $0x70, s23;
	s22 =	sadd.s32 $0x80, s22;
	s25 =	sadd.s32 s24, s21  }
0xb8: {  	s24 =	sadd.s32 s24, s22;
	s25 =	sadd.s32 s23, s25  }
0xb9: {  	s23 =	sadd.s32 s23, s24;
	v3 =	vld [tilespmem:s25+$0x0]  }
0xba: {  	v4 =	vld [tilespmem:s23+$0x0];
	_ =	sdelay $0x3  }
0xbb: {  	s24 =	simm.s32 $0x80  }
0xbc: {  	s26 =	simm.s32 $0x10;
	s28 =	sand.u32 $0x1C00, s24;
	v3 =	vadd.f32 v3, v4  }
0xbd: {  	s26 =	sand.u32 $0x70, s26;
	s25 =	simm.s32 $0x20;
	s29 =	sadd.s32 s28, s21  }
.LBB2_3:
0xbe: {  	p0 =	sne.s32 s25, $0x2F0;
	s28 =	sadd.s32 s28, s22;
	s29 =	sadd.s32 s26, s29;
	[tilespmem:s23+$0x0] =	vst v3  }
0xbf: {  	s23 =	sadd.s32 s26, s28;
	v3 =	vld [tilespmem:s29+$0x0]  }
0xc0: {  	v4 =	vld [tilespmem:s23+$0x0];
	_ =	sdelay $0x1  }
.Ltmp0:
0xc1: {  	(pc) =	sbr.rel @p0 .LBB2_3-.Ltmp0, $4  }
0xc2: {  	_ = 	snop  }
0xc3: {  	s24 =	sadd.s32 $0x80, s24  }
0xc4: {  	s28 =	sand.u32 $0x1C00, s24;
	v3 =	vadd.f32 v3, v4  }
0xc5: {  	s26 =	sand.u32 $0x70, s25;
	s25 =	sadd.s32 $0x10, s25;
	s29 =	sadd.s32 s28, s21  }
0xc6: {  	s21 =	sadd.s32 s28, s22;
	s29 =	sadd.s32 s26, s29;
	[tilespmem:s23+$0x0] =	vst v3  }
0xc7: {  	s21 =	sadd.s32 s26, s21;
	v3 =	vld [tilespmem:s29+$0x0]  }
0xc8: {  	v4 =	vld [tilespmem:s21+$0x0]  }
0xc9: {  	s20 =	sadd.s32 $0x1, s20  }
0xca: {  	p0 =	sne.s32 s20, $0x40  }
.Ltmp1:
0xcb: {  	_ = 	snop;
	(pc) =	sbr.rel @p0 .LBB2_2-.Ltmp1, $3  }
0xcc: {  	_ = 	snop  }
0xcd: {  	v3 =	vadd.f32 v3, v4;
	_ =	sdelay $0x1  }
0xce: {  	[tilespmem:s21+$0x0] =	vst v3  }
0xcf: {  	s19 =	sadd.s32 $0x1, s19  }
0xd0: {  	p0 =	sne.s32 s19, s9  }
.Ltmp2:
0xd1: {  	_ = 	snop;
	(pc) =	sbr.rel @p0 .LBB2_1-.Ltmp2, $4  }
0xd2: {  	[hbm4b:s8+s2] =	stream.linear.scatter [tilespmem:s12], [sflag:$0x2], $0xC000, $0x38;
	[tilespmem:$0x18080] =	vst v63  }
0xd3: {  	_ =	swait.ge [sflag:s10], $0xC000  }
0xd4: {  	[sflag:s10] =	ssyncset.done $0x0  }
0xd5: {  	[sflag:s10] =	ssyncadd.s32 $0xFFFF4000  }
0xd6: {  	_ =	sfence.sel $0x180000  }
0xd7: {  	[bflag:$0x0] =	sbarrier.arrive $0xFFFF  }
0xd8: {  	_ =	strace $0x9000004A  }
0xd9: {  	s0 =	stileid.u32;
	[bflag:$0x2] =	sbarrier.arrive $0xFFFF  }
0xda: {  	p0 =	sne.s32 s0, $0x0;
	s0 =	rddreg [dreg:$0x2]  }
0xdb: {  	s0 =	sadd.s32 @!p0 $0x100000, s0  }
0xdc: {  	[sflag:s0] =	ssyncadd.tile.s32 @!p0 $0x1;
	_ =	shalt  }
.Lfunc_end2:
_tile_overlayer_lowered:
.L_overlay_start_2:
0xdd: {  	(tag) =	ssettag $0x2  }
0xde: {  	s0 =	rddreg [dreg:$0x0];
	s2 =	stileid.u32  }
0xdf: {  	s1 =	rddreg [dreg:$0x1];
	p0 =	sne.s32 s2, $0x0  }
0xe0: {  	s3 =	rddreg [dreg:$0x2];
	[bflag:$0x3] =	sbarrier.arrive $0xFFFF;
	s2 =	simm.s32 @!p0 $0x1C02  }
0xe1: {  	[timem:s3], [sflag:s2] =	dma.local @!p0 [hbm:s0], s1  }
0xe2: {  	s0 =	simm.s32 @!p0 $0x2  }
0xe3: {  	_ =	swait.ge @!p0 [sflag:s0], s1  }
0xe4: {  	s1 =	ssub.s32 @!p0 $0x0, s1;
	[sflag:s0] =	ssyncset.done @!p0 $0x0  }
0xe5: {  	[sflag:s0] =	ssyncadd.s32 @!p0 s1  }
0xe6: {  	[bflag:$0x3] =	sbarrier.arrive $0xFFFF  }
0xe7: {  	_ =	shalt  }

</sc_bundles>
